<compile_context>
chip_gen: v7x
topology: tpu7x:2x2x1
jax: 0.10.2.dev20260603
libtpu: 0.0.44.dev20260713+nightly
codegen_flags: <defaults>
</compile_context>

<pallas_src>
import functools

import jax
import jax.numpy as jnp
from jax import lax
from jax.experimental import pallas as pl
from jax.experimental.pallas import tpu as pltpu
from jax.experimental.pallas import tpu_sc as plsc

B = 16384
D = 128
NC = 2
NS = 16
NW = NC * NS
BW = B // NW
C = 32
NBUF = 8
NCHUNK = BW // C
G16 = C // 16
IPR = 128 // C


def _mf_body(uid_hbm, iid_hbm, uemb_hbm, iemb_hbm, out_hbm,
             uid_v, iid_v, ubuf, vbuf, stage, out_v, sem_uv):
    wid = lax.axis_index("s") * NC + lax.axis_index("c")

    pltpu.sync_copy(uid_hbm.at[wid], uid_v)
    pltpu.sync_copy(iid_hbm.at[wid], iid_v)

    def chunk_ids(ids_v, g):
        return ids_v.at[lax.div(g, IPR), pl.ds(lax.rem(g, IPR) * C, C)]

    def start_chunk(g):
        p = lax.rem(g, NBUF)
        pltpu.async_copy(uemb_hbm.at[chunk_ids(uid_v, g)], ubuf.at[p],
                         sem_uv.at[p, 0])
        pltpu.async_copy(iemb_hbm.at[chunk_ids(iid_v, g)], vbuf.at[p],
                         sem_uv.at[p, 1])

    def wait_chunk(g):
        p = lax.rem(g, NBUF)
        pltpu.make_async_copy(uemb_hbm.at[chunk_ids(uid_v, g)], ubuf.at[p],
                              sem_uv.at[p, 0]).wait()
        pltpu.make_async_copy(iemb_hbm.at[chunk_ids(iid_v, g)], vbuf.at[p],
                              sem_uv.at[p, 1]).wait()

    for _g in range(NBUF - 1):
        start_chunk(jnp.int32(_g))

    iota16 = lax.iota(jnp.int32, 16)

    def chunk_body(g, carry):
        @pl.when(g + NBUF - 1 < NCHUNK)
        def _():
            start_chunk(g + NBUF - 1)
        wait_chunk(g)
        p = lax.rem(g, NBUF)

        def group(t, gcarry):
            r0 = t * 16

            def row(j, rcarry):
                r = r0 + j
                acc = ubuf[p, r, 0:16] * vbuf[p, r, 0:16]
                for k in range(1, 8):
                    acc = acc + (ubuf[p, r, k * 16:(k + 1) * 16] *
                                 vbuf[p, r, k * 16:(k + 1) * 16])
                stage[pl.ds(j * 16, 16)] = acc
                return rcarry
            lax.fori_loop(0, 16, row, 0)

            tot = plsc.load_gather(stage, [iota16 * 16])
            for j in range(1, 16):
                tot = tot + plsc.load_gather(stage, [iota16 * 16 + j])
            out_v[pl.ds(g * C + r0, 16)] = tot
            return gcarry
        lax.fori_loop(0, G16, group, 0)
        return carry

    lax.fori_loop(0, NCHUNK, chunk_body, 0)

    pltpu.sync_copy(out_v, out_hbm.at[pl.ds(wid * BW, BW)])


_mf_kernel = functools.partial(
    pl.kernel,
    out_type=jax.ShapeDtypeStruct((B,), jnp.float32),
    mesh=plsc.VectorSubcoreMesh(core_axis_name="c", subcore_axis_name="s",
                                num_cores=NC, num_subcores=NS),
    compiler_params=pltpu.CompilerParams(needs_layout_passes=False),
    scratch_types=[
        pltpu.VMEM((NCHUNK // IPR, IPR * C), jnp.int32),
        pltpu.VMEM((NCHUNK // IPR, IPR * C), jnp.int32),
        pltpu.VMEM((NBUF, C, D), jnp.float32),
        pltpu.VMEM((NBUF, C, D), jnp.float32),
        pltpu.VMEM((256,), jnp.float32),
        pltpu.VMEM((BW,), jnp.float32),
        pltpu.SemaphoreType.DMA((NBUF, 2)),
    ],
)(_mf_body)


def kernel(user_ids, item_ids, user_emb, item_emb, user_bias, item_bias,
           global_bias):
    uid = user_ids.astype(jnp.int32).reshape(NW, NCHUNK // IPR, IPR * C)
    iid = item_ids.astype(jnp.int32).reshape(NW, NCHUNK // IPR, IPR * C)
    del user_bias, item_bias, global_bias
    return _mf_kernel(uid, iid, user_emb, item_emb)

# --- scband reference (transcript-rebuilt; emitter-appended) ---
"""Pipeline reference for scband-matrix-factorization-4303557231323 (READ-ONLY COPY).

The authoritative reference and input builder live on the scoring server;
editing this copy changes nothing except your own understanding.
"""

import jax, jax.numpy as jnp
import numpy as np

NUM_USERS = 100000
NUM_ITEMS = 100000
EMBED_DIM = 128
BATCH = 16384


def setup_inputs(seed: int = 0) -> dict:
    key = jax.random.key(seed)
    k1, k2, k3, k4 = jax.random.split(key, 4)
    user_ids = jax.random.randint(k1, (BATCH,), 0, NUM_USERS, dtype=jnp.int64 if jax.config.read('jax_enable_x64') else jnp.int32)
    item_ids = jax.random.randint(k2, (BATCH,), 0, NUM_ITEMS, dtype=jnp.int64 if jax.config.read('jax_enable_x64') else jnp.int32)
    # xavier_uniform for [num, dim]: bound = sqrt(6/(num+dim))
    bu = np.sqrt(6.0 / (NUM_USERS + EMBED_DIM))
    bi = np.sqrt(6.0 / (NUM_ITEMS + EMBED_DIM))
    user_emb = jax.random.uniform(k3, (NUM_USERS, EMBED_DIM), minval=-bu, maxval=bu, dtype=jnp.float32)
    item_emb = jax.random.uniform(k4, (NUM_ITEMS, EMBED_DIM), minval=-bi, maxval=bi, dtype=jnp.float32)
    user_bias = jnp.zeros((NUM_USERS, 1), dtype=jnp.float32)
    item_bias = jnp.zeros((NUM_ITEMS, 1), dtype=jnp.float32)
    global_bias = jnp.zeros((1,), dtype=jnp.float32)
    return {
        'user_ids': user_ids,
        'item_ids': item_ids,
        'user_emb': user_emb,
        'item_emb': item_emb,
        'user_bias': user_bias,
        'item_bias': item_bias,
        'global_bias': global_bias,
    }


def reference(user_ids, item_ids, user_emb, item_emb, user_bias, item_bias, global_bias):
    # Embedding lookups (gather)
    u = jnp.take(user_emb, user_ids, axis=0)  # [B, D]
    v = jnp.take(item_emb, item_ids, axis=0)  # [B, D]
    # dropout is identity in eval mode
    dot_product = jnp.sum(u * v, axis=1)  # [B]
    ub = jnp.take(user_bias, user_ids, axis=0).squeeze(-1)  # [B]
    ib = jnp.take(item_bias, item_ids, axis=0).squeeze(-1)  # [B]
    prediction = dot_product + ub + ib + global_bias[0]
    return prediction

if __name__ == "__main__":
    import jax
    _d = setup_inputs()
    print(jax.jit(kernel)(*tuple(_d.values())))

</pallas_src>

<mosaic_0001>
#map = affine_map<(d0, d1) -> (0, 0, 0)>
#map1 = affine_map<(d0, d1) -> (0, 0)>
#map2 = affine_map<(d0, d1) -> (0)>
module attributes {stable_mosaic.version = 14 : i64} {
  func.func @_mf_body(%arg0: i32, %arg1: i32, %arg2: memref<32x4x128xi32, #tpu.memory_space<hbm>>, %arg3: memref<32x4x128xi32, #tpu.memory_space<hbm>>, %arg4: memref<100000x128xf32, #tpu.memory_space<hbm>>, %arg5: memref<100000x128xf32, #tpu.memory_space<hbm>>, %arg6: memref<16384xf32, #tpu.memory_space<hbm>>, %arg7: memref<4x128xi32, #tpu.memory_space<vmem>>, %arg8: memref<4x128xi32, #tpu.memory_space<vmem>>, %arg9: memref<8x32x128xf32, #tpu.memory_space<vmem>>, %arg10: memref<8x32x128xf32, #tpu.memory_space<vmem>>, %arg11: memref<256xf32, #tpu.memory_space<vmem>>, %arg12: memref<512xf32, #tpu.memory_space<vmem>>, %arg13: memref<8x2x!tpu.dma_semaphore, #tpu.memory_space<semaphore_mem>>) attributes {dimension_semantics = [#tpu.dimension_semantics<core_parallel>, #tpu.dimension_semantics<subcore_parallel>], iteration_bounds = array<i64: 2, 16>, scalar_prefetch = 0 : i64, scratch_operands = 7 : i64, tpu.core_type = #tpu.core_type<sc_vector_subcore>, window_params = [{transform_indices = #map}, {transform_indices = #map}, {transform_indices = #map1}, {transform_indices = #map1}, {transform_indices = #map2}]} {
    %mul3A = arith.constant 2 : i32
    %mul3A_0 = arith.muli %arg1, %mul3A : i32
    %add3A = arith.addi %mul3A_0, %arg0 : i32
    "tpu.region"() ({
      %run_scoped3A = tpu.sem_alloc : memref<!tpu.dma_semaphore, #tpu.memory_space<semaphore_mem>>
      %dma_start3A_306 = arith.constant 0 : i32
      %dma_start3A_307 = arith.constant 0 : i32
      %dma_start3A_308 = tpu.memref_slice %arg2[%add3A, %dma_start3A_306, %dma_start3A_307] : memref<32x4x128xi32, #tpu.memory_space<hbm>> -> memref<1x4x128xi32, #tpu.memory_space<hbm>>
      %dma_start3A_309 = tpu.memref_squeeze %dma_start3A_308 : memref<1x4x128xi32, #tpu.memory_space<hbm>> -> memref<4x128xi32, #tpu.memory_space<hbm>>
      %dma_start3A_310 = arith.constant 0 : i32
      %dma_start3A_311 = arith.constant 0 : i32
      %dma_start3A_312 = tpu.memref_slice %arg2[%add3A, %dma_start3A_310, %dma_start3A_311] : memref<32x4x128xi32, #tpu.memory_space<hbm>> -> memref<1x4x128xi32, #tpu.memory_space<hbm>>
      %dma_start3A_313 = tpu.memref_squeeze %dma_start3A_312 : memref<1x4x128xi32, #tpu.memory_space<hbm>> -> memref<4x128xi32, #tpu.memory_space<hbm>>
      tpu.enqueue_dma source(%dma_start3A_313 : memref<4x128xi32, #tpu.memory_space<hbm>>) target(%arg7 : memref<4x128xi32, #tpu.memory_space<vmem>>) target_semaphore(%run_scoped3A : memref<!tpu.dma_semaphore, #tpu.memory_space<semaphore_mem>>)
      %dma_wait3A = arith.constant 0 : i32
      %dma_wait3A_314 = arith.constant 0 : i32
      %dma_wait3A_315 = tpu.memref_slice %arg2[%add3A, %dma_wait3A, %dma_wait3A_314] : memref<32x4x128xi32, #tpu.memory_space<hbm>> -> memref<1x4x128xi32, #tpu.memory_space<hbm>>
      %dma_wait3A_316 = tpu.memref_squeeze %dma_wait3A_315 : memref<1x4x128xi32, #tpu.memory_space<hbm>> -> memref<4x128xi32, #tpu.memory_space<hbm>>
      %dma_wait3A_317 = arith.constant 0 : i32
      %dma_wait3A_318 = arith.constant 0 : i32
      %dma_wait3A_319 = tpu.memref_slice %arg2[%add3A, %dma_wait3A_317, %dma_wait3A_318] : memref<32x4x128xi32, #tpu.memory_space<hbm>> -> memref<1x4x128xi32, #tpu.memory_space<hbm>>
      %dma_wait3A_320 = tpu.memref_squeeze %dma_wait3A_319 : memref<1x4x128xi32, #tpu.memory_space<hbm>> -> memref<4x128xi32, #tpu.memory_space<hbm>>
      tpu.wait_dma2 semaphore(%run_scoped3A : memref<!tpu.dma_semaphore, #tpu.memory_space<semaphore_mem>>) src(%dma_wait3A_320 : memref<4x128xi32, #tpu.memory_space<hbm>>) dst(%arg7 : memref<4x128xi32, #tpu.memory_space<vmem>>)
      tpu.yield
    }) : () -> ()
    "tpu.region"() ({
      %run_scoped3A = tpu.sem_alloc : memref<!tpu.dma_semaphore, #tpu.memory_space<semaphore_mem>>
      %dma_start3A_306 = arith.constant 0 : i32
      %dma_start3A_307 = arith.constant 0 : i32
      %dma_start3A_308 = tpu.memref_slice %arg3[%add3A, %dma_start3A_306, %dma_start3A_307] : memref<32x4x128xi32, #tpu.memory_space<hbm>> -> memref<1x4x128xi32, #tpu.memory_space<hbm>>
      %dma_start3A_309 = tpu.memref_squeeze %dma_start3A_308 : memref<1x4x128xi32, #tpu.memory_space<hbm>> -> memref<4x128xi32, #tpu.memory_space<hbm>>
      %dma_start3A_310 = arith.constant 0 : i32
      %dma_start3A_311 = arith.constant 0 : i32
      %dma_start3A_312 = tpu.memref_slice %arg3[%add3A, %dma_start3A_310, %dma_start3A_311] : memref<32x4x128xi32, #tpu.memory_space<hbm>> -> memref<1x4x128xi32, #tpu.memory_space<hbm>>
      %dma_start3A_313 = tpu.memref_squeeze %dma_start3A_312 : memref<1x4x128xi32, #tpu.memory_space<hbm>> -> memref<4x128xi32, #tpu.memory_space<hbm>>
      tpu.enqueue_dma source(%dma_start3A_313 : memref<4x128xi32, #tpu.memory_space<hbm>>) target(%arg8 : memref<4x128xi32, #tpu.memory_space<vmem>>) target_semaphore(%run_scoped3A : memref<!tpu.dma_semaphore, #tpu.memory_space<semaphore_mem>>)
      %dma_wait3A = arith.constant 0 : i32
      %dma_wait3A_314 = arith.constant 0 : i32
      %dma_wait3A_315 = tpu.memref_slice %arg3[%add3A, %dma_wait3A, %dma_wait3A_314] : memref<32x4x128xi32, #tpu.memory_space<hbm>> -> memref<1x4x128xi32, #tpu.memory_space<hbm>>
      %dma_wait3A_316 = tpu.memref_squeeze %dma_wait3A_315 : memref<1x4x128xi32, #tpu.memory_space<hbm>> -> memref<4x128xi32, #tpu.memory_space<hbm>>
      %dma_wait3A_317 = arith.constant 0 : i32
      %dma_wait3A_318 = arith.constant 0 : i32
      %dma_wait3A_319 = tpu.memref_slice %arg3[%add3A, %dma_wait3A_317, %dma_wait3A_318] : memref<32x4x128xi32, #tpu.memory_space<hbm>> -> memref<1x4x128xi32, #tpu.memory_space<hbm>>
      %dma_wait3A_320 = tpu.memref_squeeze %dma_wait3A_319 : memref<1x4x128xi32, #tpu.memory_space<hbm>> -> memref<4x128xi32, #tpu.memory_space<hbm>>
      tpu.wait_dma2 semaphore(%run_scoped3A : memref<!tpu.dma_semaphore, #tpu.memory_space<semaphore_mem>>) src(%dma_wait3A_320 : memref<4x128xi32, #tpu.memory_space<hbm>>) dst(%arg8 : memref<4x128xi32, #tpu.memory_space<vmem>>)
      tpu.yield
    }) : () -> ()
    %rem3A = arith.constant 0 : i32
    %rem3A_1 = arith.constant 8 : i32
    %rem3A_2 = arith.remsi %rem3A, %rem3A_1 : i32
    %div3A = arith.constant 0 : i32
    %div3A_3 = arith.constant 4 : i32
    %div3A_4 = arith.divsi %div3A, %div3A_3 : i32
    %rem3A_5 = arith.constant 0 : i32
    %rem3A_6 = arith.constant 4 : i32
    %rem3A_7 = arith.remsi %rem3A_5, %rem3A_6 : i32
    %mul3A_8 = arith.constant 32 : i32
    %mul3A_9 = arith.muli %rem3A_7, %mul3A_8 : i32
    %dma_start3A = arith.constant 0 : i32
    %dma_start3A_10 = arith.constant 0 : i32
    %dma_start3A_11 = arith.constant 0 : i32
    %dma_start3A_12 = tpu.memref_slice %arg9[%rem3A_2, %dma_start3A_10, %dma_start3A_11] : memref<8x32x128xf32, #tpu.memory_space<vmem>> -> memref<1x32x128xf32, #tpu.memory_space<vmem>>
    %dma_start3A_13 = tpu.memref_squeeze %dma_start3A_12 : memref<1x32x128xf32, #tpu.memory_space<vmem>> -> memref<32x128xf32, #tpu.memory_space<vmem>>
    %dma_start3A_14 = tpu.memref_slice %arg7[%div3A_4, %mul3A_9] : memref<4x128xi32, #tpu.memory_space<vmem>> -> memref<1x32xi32, #tpu.memory_space<vmem>>
    %dma_start3A_15 = tpu.memref_squeeze %dma_start3A_14 : memref<1x32xi32, #tpu.memory_space<vmem>> -> memref<32xi32, #tpu.memory_space<vmem>>
    %dma_start3A_16 = arith.constant 0 : i32
    %dma_start3A_17 = arith.constant 0 : i32
    %dma_start3A_18 = tpu.memref_slice %arg4[%dma_start3A_16, %dma_start3A_17] : memref<100000x128xf32, #tpu.memory_space<hbm>> -> memref<100000x128xf32, #tpu.memory_space<hbm>>
    %dma_start3A_19 = tpu.memref_slice %arg13[%rem3A_2, %dma_start3A] : memref<8x2x!tpu.dma_semaphore, #tpu.memory_space<semaphore_mem>> -> memref<1x1x!tpu.dma_semaphore, #tpu.memory_space<semaphore_mem>>
    %dma_start3A_20 = tpu.memref_squeeze %dma_start3A_19 : memref<1x1x!tpu.dma_semaphore, #tpu.memory_space<semaphore_mem>> -> memref<!tpu.dma_semaphore, #tpu.memory_space<semaphore_mem>>
    tpu.enqueue_indirect_dma source(%dma_start3A_18 : memref<100000x128xf32, #tpu.memory_space<hbm>>) target(%dma_start3A_13 : memref<32x128xf32, #tpu.memory_space<vmem>>) offsets(%dma_start3A_15 : memref<32xi32, #tpu.memory_space<vmem>>) semaphore(%dma_start3A_20 : memref<!tpu.dma_semaphore, #tpu.memory_space<semaphore_mem>>)
    %div3A_21 = arith.constant 0 : i32
    %div3A_22 = arith.constant 4 : i32
    %div3A_23 = arith.divsi %div3A_21, %div3A_22 : i32
    %rem3A_24 = arith.constant 0 : i32
    %rem3A_25 = arith.constant 4 : i32
    %rem3A_26 = arith.remsi %rem3A_24, %rem3A_25 : i32
    %mul3A_27 = arith.constant 32 : i32
    %mul3A_28 = arith.muli %rem3A_26, %mul3A_27 : i32
    %dma_start3A_29 = arith.constant 1 : i32
    %dma_start3A_30 = arith.constant 0 : i32
    %dma_start3A_31 = arith.constant 0 : i32
    %dma_start3A_32 = tpu.memref_slice %arg10[%rem3A_2, %dma_start3A_30, %dma_start3A_31] : memref<8x32x128xf32, #tpu.memory_space<vmem>> -> memref<1x32x128xf32, #tpu.memory_space<vmem>>
    %dma_start3A_33 = tpu.memref_squeeze %dma_start3A_32 : memref<1x32x128xf32, #tpu.memory_space<vmem>> -> memref<32x128xf32, #tpu.memory_space<vmem>>
    %dma_start3A_34 = tpu.memref_slice %arg8[%div3A_23, %mul3A_28] : memref<4x128xi32, #tpu.memory_space<vmem>> -> memref<1x32xi32, #tpu.memory_space<vmem>>
    %dma_start3A_35 = tpu.memref_squeeze %dma_start3A_34 : memref<1x32xi32, #tpu.memory_space<vmem>> -> memref<32xi32, #tpu.memory_space<vmem>>
    %dma_start3A_36 = arith.constant 0 : i32
    %dma_start3A_37 = arith.constant 0 : i32
    %dma_start3A_38 = tpu.memref_slice %arg5[%dma_start3A_36, %dma_start3A_37] : memref<100000x128xf32, #tpu.memory_space<hbm>> -> memref<100000x128xf32, #tpu.memory_space<hbm>>
    %dma_start3A_39 = tpu.memref_slice %arg13[%rem3A_2, %dma_start3A_29] : memref<8x2x!tpu.dma_semaphore, #tpu.memory_space<semaphore_mem>> -> memref<1x1x!tpu.dma_semaphore, #tpu.memory_space<semaphore_mem>>
    %dma_start3A_40 = tpu.memref_squeeze %dma_start3A_39 : memref<1x1x!tpu.dma_semaphore, #tpu.memory_space<semaphore_mem>> -> memref<!tpu.dma_semaphore, #tpu.memory_space<semaphore_mem>>
    tpu.enqueue_indirect_dma source(%dma_start3A_38 : memref<100000x128xf32, #tpu.memory_space<hbm>>) target(%dma_start3A_33 : memref<32x128xf32, #tpu.memory_space<vmem>>) offsets(%dma_start3A_35 : memref<32xi32, #tpu.memory_space<vmem>>) semaphore(%dma_start3A_40 : memref<!tpu.dma_semaphore, #tpu.memory_space<semaphore_mem>>)
    %rem3A_41 = arith.constant 1 : i32
    %rem3A_42 = arith.constant 8 : i32
    %rem3A_43 = arith.remsi %rem3A_41, %rem3A_42 : i32
    %div3A_44 = arith.constant 1 : i32
    %div3A_45 = arith.constant 4 : i32
    %div3A_46 = arith.divsi %div3A_44, %div3A_45 : i32
    %rem3A_47 = arith.constant 1 : i32
    %rem3A_48 = arith.constant 4 : i32
    %rem3A_49 = arith.remsi %rem3A_47, %rem3A_48 : i32
    %mul3A_50 = arith.constant 32 : i32
    %mul3A_51 = arith.muli %rem3A_49, %mul3A_50 : i32
    %dma_start3A_52 = arith.constant 0 : i32
    %dma_start3A_53 = arith.constant 0 : i32
    %dma_start3A_54 = arith.constant 0 : i32
    %dma_start3A_55 = tpu.memref_slice %arg9[%rem3A_43, %dma_start3A_53, %dma_start3A_54] : memref<8x32x128xf32, #tpu.memory_space<vmem>> -> memref<1x32x128xf32, #tpu.memory_space<vmem>>
    %dma_start3A_56 = tpu.memref_squeeze %dma_start3A_55 : memref<1x32x128xf32, #tpu.memory_space<vmem>> -> memref<32x128xf32, #tpu.memory_space<vmem>>
    %dma_start3A_57 = tpu.memref_slice %arg7[%div3A_46, %mul3A_51] : memref<4x128xi32, #tpu.memory_space<vmem>> -> memref<1x32xi32, #tpu.memory_space<vmem>>
    %dma_start3A_58 = tpu.memref_squeeze %dma_start3A_57 : memref<1x32xi32, #tpu.memory_space<vmem>> -> memref<32xi32, #tpu.memory_space<vmem>>
    %dma_start3A_59 = arith.constant 0 : i32
    %dma_start3A_60 = arith.constant 0 : i32
    %dma_start3A_61 = tpu.memref_slice %arg4[%dma_start3A_59, %dma_start3A_60] : memref<100000x128xf32, #tpu.memory_space<hbm>> -> memref<100000x128xf32, #tpu.memory_space<hbm>>
    %dma_start3A_62 = tpu.memref_slice %arg13[%rem3A_43, %dma_start3A_52] : memref<8x2x!tpu.dma_semaphore, #tpu.memory_space<semaphore_mem>> -> memref<1x1x!tpu.dma_semaphore, #tpu.memory_space<semaphore_mem>>
    %dma_start3A_63 = tpu.memref_squeeze %dma_start3A_62 : memref<1x1x!tpu.dma_semaphore, #tpu.memory_space<semaphore_mem>> -> memref<!tpu.dma_semaphore, #tpu.memory_space<semaphore_mem>>
    tpu.enqueue_indirect_dma source(%dma_start3A_61 : memref<100000x128xf32, #tpu.memory_space<hbm>>) target(%dma_start3A_56 : memref<32x128xf32, #tpu.memory_space<vmem>>) offsets(%dma_start3A_58 : memref<32xi32, #tpu.memory_space<vmem>>) semaphore(%dma_start3A_63 : memref<!tpu.dma_semaphore, #tpu.memory_space<semaphore_mem>>)
    %div3A_64 = arith.constant 1 : i32
    %div3A_65 = arith.constant 4 : i32
    %div3A_66 = arith.divsi %div3A_64, %div3A_65 : i32
    %rem3A_67 = arith.constant 1 : i32
    %rem3A_68 = arith.constant 4 : i32
    %rem3A_69 = arith.remsi %rem3A_67, %rem3A_68 : i32
    %mul3A_70 = arith.constant 32 : i32
    %mul3A_71 = arith.muli %rem3A_69, %mul3A_70 : i32
    %dma_start3A_72 = arith.constant 1 : i32
    %dma_start3A_73 = arith.constant 0 : i32
    %dma_start3A_74 = arith.constant 0 : i32
    %dma_start3A_75 = tpu.memref_slice %arg10[%rem3A_43, %dma_start3A_73, %dma_start3A_74] : memref<8x32x128xf32, #tpu.memory_space<vmem>> -> memref<1x32x128xf32, #tpu.memory_space<vmem>>
    %dma_start3A_76 = tpu.memref_squeeze %dma_start3A_75 : memref<1x32x128xf32, #tpu.memory_space<vmem>> -> memref<32x128xf32, #tpu.memory_space<vmem>>
    %dma_start3A_77 = tpu.memref_slice %arg8[%div3A_66, %mul3A_71] : memref<4x128xi32, #tpu.memory_space<vmem>> -> memref<1x32xi32, #tpu.memory_space<vmem>>
    %dma_start3A_78 = tpu.memref_squeeze %dma_start3A_77 : memref<1x32xi32, #tpu.memory_space<vmem>> -> memref<32xi32, #tpu.memory_space<vmem>>
    %dma_start3A_79 = arith.constant 0 : i32
    %dma_start3A_80 = arith.constant 0 : i32
    %dma_start3A_81 = tpu.memref_slice %arg5[%dma_start3A_79, %dma_start3A_80] : memref<100000x128xf32, #tpu.memory_space<hbm>> -> memref<100000x128xf32, #tpu.memory_space<hbm>>
    %dma_start3A_82 = tpu.memref_slice %arg13[%rem3A_43, %dma_start3A_72] : memref<8x2x!tpu.dma_semaphore, #tpu.memory_space<semaphore_mem>> -> memref<1x1x!tpu.dma_semaphore, #tpu.memory_space<semaphore_mem>>
    %dma_start3A_83 = tpu.memref_squeeze %dma_start3A_82 : memref<1x1x!tpu.dma_semaphore, #tpu.memory_space<semaphore_mem>> -> memref<!tpu.dma_semaphore, #tpu.memory_space<semaphore_mem>>
    tpu.enqueue_indirect_dma source(%dma_start3A_81 : memref<100000x128xf32, #tpu.memory_space<hbm>>) target(%dma_start3A_76 : memref<32x128xf32, #tpu.memory_space<vmem>>) offsets(%dma_start3A_78 : memref<32xi32, #tpu.memory_space<vmem>>) semaphore(%dma_start3A_83 : memref<!tpu.dma_semaphore, #tpu.memory_space<semaphore_mem>>)
    %rem3A_84 = arith.constant 2 : i32
    %rem3A_85 = arith.constant 8 : i32
    %rem3A_86 = arith.remsi %rem3A_84, %rem3A_85 : i32
    %div3A_87 = arith.constant 2 : i32
    %div3A_88 = arith.constant 4 : i32
    %div3A_89 = arith.divsi %div3A_87, %div3A_88 : i32
    %rem3A_90 = arith.constant 2 : i32
    %rem3A_91 = arith.constant 4 : i32
    %rem3A_92 = arith.remsi %rem3A_90, %rem3A_91 : i32
    %mul3A_93 = arith.constant 32 : i32
    %mul3A_94 = arith.muli %rem3A_92, %mul3A_93 : i32
    %dma_start3A_95 = arith.constant 0 : i32
    %dma_start3A_96 = arith.constant 0 : i32
    %dma_start3A_97 = arith.constant 0 : i32
    %dma_start3A_98 = tpu.memref_slice %arg9[%rem3A_86, %dma_start3A_96, %dma_start3A_97] : memref<8x32x128xf32, #tpu.memory_space<vmem>> -> memref<1x32x128xf32, #tpu.memory_space<vmem>>
    %dma_start3A_99 = tpu.memref_squeeze %dma_start3A_98 : memref<1x32x128xf32, #tpu.memory_space<vmem>> -> memref<32x128xf32, #tpu.memory_space<vmem>>
    %dma_start3A_100 = tpu.memref_slice %arg7[%div3A_89, %mul3A_94] : memref<4x128xi32, #tpu.memory_space<vmem>> -> memref<1x32xi32, #tpu.memory_space<vmem>>
    %dma_start3A_101 = tpu.memref_squeeze %dma_start3A_100 : memref<1x32xi32, #tpu.memory_space<vmem>> -> memref<32xi32, #tpu.memory_space<vmem>>
    %dma_start3A_102 = arith.constant 0 : i32
    %dma_start3A_103 = arith.constant 0 : i32
    %dma_start3A_104 = tpu.memref_slice %arg4[%dma_start3A_102, %dma_start3A_103] : memref<100000x128xf32, #tpu.memory_space<hbm>> -> memref<100000x128xf32, #tpu.memory_space<hbm>>
    %dma_start3A_105 = tpu.memref_slice %arg13[%rem3A_86, %dma_start3A_95] : memref<8x2x!tpu.dma_semaphore, #tpu.memory_space<semaphore_mem>> -> memref<1x1x!tpu.dma_semaphore, #tpu.memory_space<semaphore_mem>>
    %dma_start3A_106 = tpu.memref_squeeze %dma_start3A_105 : memref<1x1x!tpu.dma_semaphore, #tpu.memory_space<semaphore_mem>> -> memref<!tpu.dma_semaphore, #tpu.memory_space<semaphore_mem>>
    tpu.enqueue_indirect_dma source(%dma_start3A_104 : memref<100000x128xf32, #tpu.memory_space<hbm>>) target(%dma_start3A_99 : memref<32x128xf32, #tpu.memory_space<vmem>>) offsets(%dma_start3A_101 : memref<32xi32, #tpu.memory_space<vmem>>) semaphore(%dma_start3A_106 : memref<!tpu.dma_semaphore, #tpu.memory_space<semaphore_mem>>)
    %div3A_107 = arith.constant 2 : i32
    %div3A_108 = arith.constant 4 : i32
    %div3A_109 = arith.divsi %div3A_107, %div3A_108 : i32
    %rem3A_110 = arith.constant 2 : i32
    %rem3A_111 = arith.constant 4 : i32
    %rem3A_112 = arith.remsi %rem3A_110, %rem3A_111 : i32
    %mul3A_113 = arith.constant 32 : i32
    %mul3A_114 = arith.muli %rem3A_112, %mul3A_113 : i32
    %dma_start3A_115 = arith.constant 1 : i32
    %dma_start3A_116 = arith.constant 0 : i32
    %dma_start3A_117 = arith.constant 0 : i32
    %dma_start3A_118 = tpu.memref_slice %arg10[%rem3A_86, %dma_start3A_116, %dma_start3A_117] : memref<8x32x128xf32, #tpu.memory_space<vmem>> -> memref<1x32x128xf32, #tpu.memory_space<vmem>>
    %dma_start3A_119 = tpu.memref_squeeze %dma_start3A_118 : memref<1x32x128xf32, #tpu.memory_space<vmem>> -> memref<32x128xf32, #tpu.memory_space<vmem>>
    %dma_start3A_120 = tpu.memref_slice %arg8[%div3A_109, %mul3A_114] : memref<4x128xi32, #tpu.memory_space<vmem>> -> memref<1x32xi32, #tpu.memory_space<vmem>>
    %dma_start3A_121 = tpu.memref_squeeze %dma_start3A_120 : memref<1x32xi32, #tpu.memory_space<vmem>> -> memref<32xi32, #tpu.memory_space<vmem>>
    %dma_start3A_122 = arith.constant 0 : i32
    %dma_start3A_123 = arith.constant 0 : i32
    %dma_start3A_124 = tpu.memref_slice %arg5[%dma_start3A_122, %dma_start3A_123] : memref<100000x128xf32, #tpu.memory_space<hbm>> -> memref<100000x128xf32, #tpu.memory_space<hbm>>
    %dma_start3A_125 = tpu.memref_slice %arg13[%rem3A_86, %dma_start3A_115] : memref<8x2x!tpu.dma_semaphore, #tpu.memory_space<semaphore_mem>> -> memref<1x1x!tpu.dma_semaphore, #tpu.memory_space<semaphore_mem>>
    %dma_start3A_126 = tpu.memref_squeeze %dma_start3A_125 : memref<1x1x!tpu.dma_semaphore, #tpu.memory_space<semaphore_mem>> -> memref<!tpu.dma_semaphore, #tpu.memory_space<semaphore_mem>>
    tpu.enqueue_indirect_dma source(%dma_start3A_124 : memref<100000x128xf32, #tpu.memory_space<hbm>>) target(%dma_start3A_119 : memref<32x128xf32, #tpu.memory_space<vmem>>) offsets(%dma_start3A_121 : memref<32xi32, #tpu.memory_space<vmem>>) semaphore(%dma_start3A_126 : memref<!tpu.dma_semaphore, #tpu.memory_space<semaphore_mem>>)
    %rem3A_127 = arith.constant 3 : i32
    %rem3A_128 = arith.constant 8 : i32
    %rem3A_129 = arith.remsi %rem3A_127, %rem3A_128 : i32
    %div3A_130 = arith.constant 3 : i32
    %div3A_131 = arith.constant 4 : i32
    %div3A_132 = arith.divsi %div3A_130, %div3A_131 : i32
    %rem3A_133 = arith.constant 3 : i32
    %rem3A_134 = arith.constant 4 : i32
    %rem3A_135 = arith.remsi %rem3A_133, %rem3A_134 : i32
    %mul3A_136 = arith.constant 32 : i32
    %mul3A_137 = arith.muli %rem3A_135, %mul3A_136 : i32
    %dma_start3A_138 = arith.constant 0 : i32
    %dma_start3A_139 = arith.constant 0 : i32
    %dma_start3A_140 = arith.constant 0 : i32
    %dma_start3A_141 = tpu.memref_slice %arg9[%rem3A_129, %dma_start3A_139, %dma_start3A_140] : memref<8x32x128xf32, #tpu.memory_space<vmem>> -> memref<1x32x128xf32, #tpu.memory_space<vmem>>
    %dma_start3A_142 = tpu.memref_squeeze %dma_start3A_141 : memref<1x32x128xf32, #tpu.memory_space<vmem>> -> memref<32x128xf32, #tpu.memory_space<vmem>>
    %dma_start3A_143 = tpu.memref_slice %arg7[%div3A_132, %mul3A_137] : memref<4x128xi32, #tpu.memory_space<vmem>> -> memref<1x32xi32, #tpu.memory_space<vmem>>
    %dma_start3A_144 = tpu.memref_squeeze %dma_start3A_143 : memref<1x32xi32, #tpu.memory_space<vmem>> -> memref<32xi32, #tpu.memory_space<vmem>>
    %dma_start3A_145 = arith.constant 0 : i32
    %dma_start3A_146 = arith.constant 0 : i32
    %dma_start3A_147 = tpu.memref_slice %arg4[%dma_start3A_145, %dma_start3A_146] : memref<100000x128xf32, #tpu.memory_space<hbm>> -> memref<100000x128xf32, #tpu.memory_space<hbm>>
    %dma_start3A_148 = tpu.memref_slice %arg13[%rem3A_129, %dma_start3A_138] : memref<8x2x!tpu.dma_semaphore, #tpu.memory_space<semaphore_mem>> -> memref<1x1x!tpu.dma_semaphore, #tpu.memory_space<semaphore_mem>>
    %dma_start3A_149 = tpu.memref_squeeze %dma_start3A_148 : memref<1x1x!tpu.dma_semaphore, #tpu.memory_space<semaphore_mem>> -> memref<!tpu.dma_semaphore, #tpu.memory_space<semaphore_mem>>
    tpu.enqueue_indirect_dma source(%dma_start3A_147 : memref<100000x128xf32, #tpu.memory_space<hbm>>) target(%dma_start3A_142 : memref<32x128xf32, #tpu.memory_space<vmem>>) offsets(%dma_start3A_144 : memref<32xi32, #tpu.memory_space<vmem>>) semaphore(%dma_start3A_149 : memref<!tpu.dma_semaphore, #tpu.memory_space<semaphore_mem>>)
    %div3A_150 = arith.constant 3 : i32
    %div3A_151 = arith.constant 4 : i32
    %div3A_152 = arith.divsi %div3A_150, %div3A_151 : i32
    %rem3A_153 = arith.constant 3 : i32
    %rem3A_154 = arith.constant 4 : i32
    %rem3A_155 = arith.remsi %rem3A_153, %rem3A_154 : i32
    %mul3A_156 = arith.constant 32 : i32
    %mul3A_157 = arith.muli %rem3A_155, %mul3A_156 : i32
    %dma_start3A_158 = arith.constant 1 : i32
    %dma_start3A_159 = arith.constant 0 : i32
    %dma_start3A_160 = arith.constant 0 : i32
    %dma_start3A_161 = tpu.memref_slice %arg10[%rem3A_129, %dma_start3A_159, %dma_start3A_160] : memref<8x32x128xf32, #tpu.memory_space<vmem>> -> memref<1x32x128xf32, #tpu.memory_space<vmem>>
    %dma_start3A_162 = tpu.memref_squeeze %dma_start3A_161 : memref<1x32x128xf32, #tpu.memory_space<vmem>> -> memref<32x128xf32, #tpu.memory_space<vmem>>
    %dma_start3A_163 = tpu.memref_slice %arg8[%div3A_152, %mul3A_157] : memref<4x128xi32, #tpu.memory_space<vmem>> -> memref<1x32xi32, #tpu.memory_space<vmem>>
    %dma_start3A_164 = tpu.memref_squeeze %dma_start3A_163 : memref<1x32xi32, #tpu.memory_space<vmem>> -> memref<32xi32, #tpu.memory_space<vmem>>
    %dma_start3A_165 = arith.constant 0 : i32
    %dma_start3A_166 = arith.constant 0 : i32
    %dma_start3A_167 = tpu.memref_slice %arg5[%dma_start3A_165, %dma_start3A_166] : memref<100000x128xf32, #tpu.memory_space<hbm>> -> memref<100000x128xf32, #tpu.memory_space<hbm>>
    %dma_start3A_168 = tpu.memref_slice %arg13[%rem3A_129, %dma_start3A_158] : memref<8x2x!tpu.dma_semaphore, #tpu.memory_space<semaphore_mem>> -> memref<1x1x!tpu.dma_semaphore, #tpu.memory_space<semaphore_mem>>
    %dma_start3A_169 = tpu.memref_squeeze %dma_start3A_168 : memref<1x1x!tpu.dma_semaphore, #tpu.memory_space<semaphore_mem>> -> memref<!tpu.dma_semaphore, #tpu.memory_space<semaphore_mem>>
    tpu.enqueue_indirect_dma source(%dma_start3A_167 : memref<100000x128xf32, #tpu.memory_space<hbm>>) target(%dma_start3A_162 : memref<32x128xf32, #tpu.memory_space<vmem>>) offsets(%dma_start3A_164 : memref<32xi32, #tpu.memory_space<vmem>>) semaphore(%dma_start3A_169 : memref<!tpu.dma_semaphore, #tpu.memory_space<semaphore_mem>>)
    %rem3A_170 = arith.constant 4 : i32
    %rem3A_171 = arith.constant 8 : i32
    %rem3A_172 = arith.remsi %rem3A_170, %rem3A_171 : i32
    %div3A_173 = arith.constant 4 : i32
    %div3A_174 = arith.constant 4 : i32
    %div3A_175 = arith.divsi %div3A_173, %div3A_174 : i32
    %rem3A_176 = arith.constant 4 : i32
    %rem3A_177 = arith.constant 4 : i32
    %rem3A_178 = arith.remsi %rem3A_176, %rem3A_177 : i32
    %mul3A_179 = arith.constant 32 : i32
    %mul3A_180 = arith.muli %rem3A_178, %mul3A_179 : i32
    %dma_start3A_181 = arith.constant 0 : i32
    %dma_start3A_182 = arith.constant 0 : i32
    %dma_start3A_183 = arith.constant 0 : i32
    %dma_start3A_184 = tpu.memref_slice %arg9[%rem3A_172, %dma_start3A_182, %dma_start3A_183] : memref<8x32x128xf32, #tpu.memory_space<vmem>> -> memref<1x32x128xf32, #tpu.memory_space<vmem>>
    %dma_start3A_185 = tpu.memref_squeeze %dma_start3A_184 : memref<1x32x128xf32, #tpu.memory_space<vmem>> -> memref<32x128xf32, #tpu.memory_space<vmem>>
    %dma_start3A_186 = tpu.memref_slice %arg7[%div3A_175, %mul3A_180] : memref<4x128xi32, #tpu.memory_space<vmem>> -> memref<1x32xi32, #tpu.memory_space<vmem>>
    %dma_start3A_187 = tpu.memref_squeeze %dma_start3A_186 : memref<1x32xi32, #tpu.memory_space<vmem>> -> memref<32xi32, #tpu.memory_space<vmem>>
    %dma_start3A_188 = arith.constant 0 : i32
    %dma_start3A_189 = arith.constant 0 : i32
    %dma_start3A_190 = tpu.memref_slice %arg4[%dma_start3A_188, %dma_start3A_189] : memref<100000x128xf32, #tpu.memory_space<hbm>> -> memref<100000x128xf32, #tpu.memory_space<hbm>>
    %dma_start3A_191 = tpu.memref_slice %arg13[%rem3A_172, %dma_start3A_181] : memref<8x2x!tpu.dma_semaphore, #tpu.memory_space<semaphore_mem>> -> memref<1x1x!tpu.dma_semaphore, #tpu.memory_space<semaphore_mem>>
    %dma_start3A_192 = tpu.memref_squeeze %dma_start3A_191 : memref<1x1x!tpu.dma_semaphore, #tpu.memory_space<semaphore_mem>> -> memref<!tpu.dma_semaphore, #tpu.memory_space<semaphore_mem>>
    tpu.enqueue_indirect_dma source(%dma_start3A_190 : memref<100000x128xf32, #tpu.memory_space<hbm>>) target(%dma_start3A_185 : memref<32x128xf32, #tpu.memory_space<vmem>>) offsets(%dma_start3A_187 : memref<32xi32, #tpu.memory_space<vmem>>) semaphore(%dma_start3A_192 : memref<!tpu.dma_semaphore, #tpu.memory_space<semaphore_mem>>)
    %div3A_193 = arith.constant 4 : i32
    %div3A_194 = arith.constant 4 : i32
    %div3A_195 = arith.divsi %div3A_193, %div3A_194 : i32
    %rem3A_196 = arith.constant 4 : i32
    %rem3A_197 = arith.constant 4 : i32
    %rem3A_198 = arith.remsi %rem3A_196, %rem3A_197 : i32
    %mul3A_199 = arith.constant 32 : i32
    %mul3A_200 = arith.muli %rem3A_198, %mul3A_199 : i32
    %dma_start3A_201 = arith.constant 1 : i32
    %dma_start3A_202 = arith.constant 0 : i32
    %dma_start3A_203 = arith.constant 0 : i32
    %dma_start3A_204 = tpu.memref_slice %arg10[%rem3A_172, %dma_start3A_202, %dma_start3A_203] : memref<8x32x128xf32, #tpu.memory_space<vmem>> -> memref<1x32x128xf32, #tpu.memory_space<vmem>>
    %dma_start3A_205 = tpu.memref_squeeze %dma_start3A_204 : memref<1x32x128xf32, #tpu.memory_space<vmem>> -> memref<32x128xf32, #tpu.memory_space<vmem>>
    %dma_start3A_206 = tpu.memref_slice %arg8[%div3A_195, %mul3A_200] : memref<4x128xi32, #tpu.memory_space<vmem>> -> memref<1x32xi32, #tpu.memory_space<vmem>>
    %dma_start3A_207 = tpu.memref_squeeze %dma_start3A_206 : memref<1x32xi32, #tpu.memory_space<vmem>> -> memref<32xi32, #tpu.memory_space<vmem>>
    %dma_start3A_208 = arith.constant 0 : i32
    %dma_start3A_209 = arith.constant 0 : i32
    %dma_start3A_210 = tpu.memref_slice %arg5[%dma_start3A_208, %dma_start3A_209] : memref<100000x128xf32, #tpu.memory_space<hbm>> -> memref<100000x128xf32, #tpu.memory_space<hbm>>
    %dma_start3A_211 = tpu.memref_slice %arg13[%rem3A_172, %dma_start3A_201] : memref<8x2x!tpu.dma_semaphore, #tpu.memory_space<semaphore_mem>> -> memref<1x1x!tpu.dma_semaphore, #tpu.memory_space<semaphore_mem>>
    %dma_start3A_212 = tpu.memref_squeeze %dma_start3A_211 : memref<1x1x!tpu.dma_semaphore, #tpu.memory_space<semaphore_mem>> -> memref<!tpu.dma_semaphore, #tpu.memory_space<semaphore_mem>>
    tpu.enqueue_indirect_dma source(%dma_start3A_210 : memref<100000x128xf32, #tpu.memory_space<hbm>>) target(%dma_start3A_205 : memref<32x128xf32, #tpu.memory_space<vmem>>) offsets(%dma_start3A_207 : memref<32xi32, #tpu.memory_space<vmem>>) semaphore(%dma_start3A_212 : memref<!tpu.dma_semaphore, #tpu.memory_space<semaphore_mem>>)
    %rem3A_213 = arith.constant 5 : i32
    %rem3A_214 = arith.constant 8 : i32
    %rem3A_215 = arith.remsi %rem3A_213, %rem3A_214 : i32
    %div3A_216 = arith.constant 5 : i32
    %div3A_217 = arith.constant 4 : i32
    %div3A_218 = arith.divsi %div3A_216, %div3A_217 : i32
    %rem3A_219 = arith.constant 5 : i32
    %rem3A_220 = arith.constant 4 : i32
    %rem3A_221 = arith.remsi %rem3A_219, %rem3A_220 : i32
    %mul3A_222 = arith.constant 32 : i32
    %mul3A_223 = arith.muli %rem3A_221, %mul3A_222 : i32
    %dma_start3A_224 = arith.constant 0 : i32
    %dma_start3A_225 = arith.constant 0 : i32
    %dma_start3A_226 = arith.constant 0 : i32
    %dma_start3A_227 = tpu.memref_slice %arg9[%rem3A_215, %dma_start3A_225, %dma_start3A_226] : memref<8x32x128xf32, #tpu.memory_space<vmem>> -> memref<1x32x128xf32, #tpu.memory_space<vmem>>
    %dma_start3A_228 = tpu.memref_squeeze %dma_start3A_227 : memref<1x32x128xf32, #tpu.memory_space<vmem>> -> memref<32x128xf32, #tpu.memory_space<vmem>>
    %dma_start3A_229 = tpu.memref_slice %arg7[%div3A_218, %mul3A_223] : memref<4x128xi32, #tpu.memory_space<vmem>> -> memref<1x32xi32, #tpu.memory_space<vmem>>
    %dma_start3A_230 = tpu.memref_squeeze %dma_start3A_229 : memref<1x32xi32, #tpu.memory_space<vmem>> -> memref<32xi32, #tpu.memory_space<vmem>>
    %dma_start3A_231 = arith.constant 0 : i32
    %dma_start3A_232 = arith.constant 0 : i32
    %dma_start3A_233 = tpu.memref_slice %arg4[%dma_start3A_231, %dma_start3A_232] : memref<100000x128xf32, #tpu.memory_space<hbm>> -> memref<100000x128xf32, #tpu.memory_space<hbm>>
    %dma_start3A_234 = tpu.memref_slice %arg13[%rem3A_215, %dma_start3A_224] : memref<8x2x!tpu.dma_semaphore, #tpu.memory_space<semaphore_mem>> -> memref<1x1x!tpu.dma_semaphore, #tpu.memory_space<semaphore_mem>>
    %dma_start3A_235 = tpu.memref_squeeze %dma_start3A_234 : memref<1x1x!tpu.dma_semaphore, #tpu.memory_space<semaphore_mem>> -> memref<!tpu.dma_semaphore, #tpu.memory_space<semaphore_mem>>
    tpu.enqueue_indirect_dma source(%dma_start3A_233 : memref<100000x128xf32, #tpu.memory_space<hbm>>) target(%dma_start3A_228 : memref<32x128xf32, #tpu.memory_space<vmem>>) offsets(%dma_start3A_230 : memref<32xi32, #tpu.memory_space<vmem>>) semaphore(%dma_start3A_235 : memref<!tpu.dma_semaphore, #tpu.memory_space<semaphore_mem>>)
    %div3A_236 = arith.constant 5 : i32
    %div3A_237 = arith.constant 4 : i32
    %div3A_238 = arith.divsi %div3A_236, %div3A_237 : i32
    %rem3A_239 = arith.constant 5 : i32
    %rem3A_240 = arith.constant 4 : i32
    %rem3A_241 = arith.remsi %rem3A_239, %rem3A_240 : i32
    %mul3A_242 = arith.constant 32 : i32
    %mul3A_243 = arith.muli %rem3A_241, %mul3A_242 : i32
    %dma_start3A_244 = arith.constant 1 : i32
    %dma_start3A_245 = arith.constant 0 : i32
    %dma_start3A_246 = arith.constant 0 : i32
    %dma_start3A_247 = tpu.memref_slice %arg10[%rem3A_215, %dma_start3A_245, %dma_start3A_246] : memref<8x32x128xf32, #tpu.memory_space<vmem>> -> memref<1x32x128xf32, #tpu.memory_space<vmem>>
    %dma_start3A_248 = tpu.memref_squeeze %dma_start3A_247 : memref<1x32x128xf32, #tpu.memory_space<vmem>> -> memref<32x128xf32, #tpu.memory_space<vmem>>
    %dma_start3A_249 = tpu.memref_slice %arg8[%div3A_238, %mul3A_243] : memref<4x128xi32, #tpu.memory_space<vmem>> -> memref<1x32xi32, #tpu.memory_space<vmem>>
    %dma_start3A_250 = tpu.memref_squeeze %dma_start3A_249 : memref<1x32xi32, #tpu.memory_space<vmem>> -> memref<32xi32, #tpu.memory_space<vmem>>
    %dma_start3A_251 = arith.constant 0 : i32
    %dma_start3A_252 = arith.constant 0 : i32
    %dma_start3A_253 = tpu.memref_slice %arg5[%dma_start3A_251, %dma_start3A_252] : memref<100000x128xf32, #tpu.memory_space<hbm>> -> memref<100000x128xf32, #tpu.memory_space<hbm>>
    %dma_start3A_254 = tpu.memref_slice %arg13[%rem3A_215, %dma_start3A_244] : memref<8x2x!tpu.dma_semaphore, #tpu.memory_space<semaphore_mem>> -> memref<1x1x!tpu.dma_semaphore, #tpu.memory_space<semaphore_mem>>
    %dma_start3A_255 = tpu.memref_squeeze %dma_start3A_254 : memref<1x1x!tpu.dma_semaphore, #tpu.memory_space<semaphore_mem>> -> memref<!tpu.dma_semaphore, #tpu.memory_space<semaphore_mem>>
    tpu.enqueue_indirect_dma source(%dma_start3A_253 : memref<100000x128xf32, #tpu.memory_space<hbm>>) target(%dma_start3A_248 : memref<32x128xf32, #tpu.memory_space<vmem>>) offsets(%dma_start3A_250 : memref<32xi32, #tpu.memory_space<vmem>>) semaphore(%dma_start3A_255 : memref<!tpu.dma_semaphore, #tpu.memory_space<semaphore_mem>>)
    %rem3A_256 = arith.constant 6 : i32
    %rem3A_257 = arith.constant 8 : i32
    %rem3A_258 = arith.remsi %rem3A_256, %rem3A_257 : i32
    %div3A_259 = arith.constant 6 : i32
    %div3A_260 = arith.constant 4 : i32
    %div3A_261 = arith.divsi %div3A_259, %div3A_260 : i32
    %rem3A_262 = arith.constant 6 : i32
    %rem3A_263 = arith.constant 4 : i32
    %rem3A_264 = arith.remsi %rem3A_262, %rem3A_263 : i32
    %mul3A_265 = arith.constant 32 : i32
    %mul3A_266 = arith.muli %rem3A_264, %mul3A_265 : i32
    %dma_start3A_267 = arith.constant 0 : i32
    %dma_start3A_268 = arith.constant 0 : i32
    %dma_start3A_269 = arith.constant 0 : i32
    %dma_start3A_270 = tpu.memref_slice %arg9[%rem3A_258, %dma_start3A_268, %dma_start3A_269] : memref<8x32x128xf32, #tpu.memory_space<vmem>> -> memref<1x32x128xf32, #tpu.memory_space<vmem>>
    %dma_start3A_271 = tpu.memref_squeeze %dma_start3A_270 : memref<1x32x128xf32, #tpu.memory_space<vmem>> -> memref<32x128xf32, #tpu.memory_space<vmem>>
    %dma_start3A_272 = tpu.memref_slice %arg7[%div3A_261, %mul3A_266] : memref<4x128xi32, #tpu.memory_space<vmem>> -> memref<1x32xi32, #tpu.memory_space<vmem>>
    %dma_start3A_273 = tpu.memref_squeeze %dma_start3A_272 : memref<1x32xi32, #tpu.memory_space<vmem>> -> memref<32xi32, #tpu.memory_space<vmem>>
    %dma_start3A_274 = arith.constant 0 : i32
    %dma_start3A_275 = arith.constant 0 : i32
    %dma_start3A_276 = tpu.memref_slice %arg4[%dma_start3A_274, %dma_start3A_275] : memref<100000x128xf32, #tpu.memory_space<hbm>> -> memref<100000x128xf32, #tpu.memory_space<hbm>>
    %dma_start3A_277 = tpu.memref_slice %arg13[%rem3A_258, %dma_start3A_267] : memref<8x2x!tpu.dma_semaphore, #tpu.memory_space<semaphore_mem>> -> memref<1x1x!tpu.dma_semaphore, #tpu.memory_space<semaphore_mem>>
    %dma_start3A_278 = tpu.memref_squeeze %dma_start3A_277 : memref<1x1x!tpu.dma_semaphore, #tpu.memory_space<semaphore_mem>> -> memref<!tpu.dma_semaphore, #tpu.memory_space<semaphore_mem>>
    tpu.enqueue_indirect_dma source(%dma_start3A_276 : memref<100000x128xf32, #tpu.memory_space<hbm>>) target(%dma_start3A_271 : memref<32x128xf32, #tpu.memory_space<vmem>>) offsets(%dma_start3A_273 : memref<32xi32, #tpu.memory_space<vmem>>) semaphore(%dma_start3A_278 : memref<!tpu.dma_semaphore, #tpu.memory_space<semaphore_mem>>)
    %div3A_279 = arith.constant 6 : i32
    %div3A_280 = arith.constant 4 : i32
    %div3A_281 = arith.divsi %div3A_279, %div3A_280 : i32
    %rem3A_282 = arith.constant 6 : i32
    %rem3A_283 = arith.constant 4 : i32
    %rem3A_284 = arith.remsi %rem3A_282, %rem3A_283 : i32
    %mul3A_285 = arith.constant 32 : i32
    %mul3A_286 = arith.muli %rem3A_284, %mul3A_285 : i32
    %dma_start3A_287 = arith.constant 1 : i32
    %dma_start3A_288 = arith.constant 0 : i32
    %dma_start3A_289 = arith.constant 0 : i32
    %dma_start3A_290 = tpu.memref_slice %arg10[%rem3A_258, %dma_start3A_288, %dma_start3A_289] : memref<8x32x128xf32, #tpu.memory_space<vmem>> -> memref<1x32x128xf32, #tpu.memory_space<vmem>>
    %dma_start3A_291 = tpu.memref_squeeze %dma_start3A_290 : memref<1x32x128xf32, #tpu.memory_space<vmem>> -> memref<32x128xf32, #tpu.memory_space<vmem>>
    %dma_start3A_292 = tpu.memref_slice %arg8[%div3A_281, %mul3A_286] : memref<4x128xi32, #tpu.memory_space<vmem>> -> memref<1x32xi32, #tpu.memory_space<vmem>>
    %dma_start3A_293 = tpu.memref_squeeze %dma_start3A_292 : memref<1x32xi32, #tpu.memory_space<vmem>> -> memref<32xi32, #tpu.memory_space<vmem>>
    %dma_start3A_294 = arith.constant 0 : i32
    %dma_start3A_295 = arith.constant 0 : i32
    %dma_start3A_296 = tpu.memref_slice %arg5[%dma_start3A_294, %dma_start3A_295] : memref<100000x128xf32, #tpu.memory_space<hbm>> -> memref<100000x128xf32, #tpu.memory_space<hbm>>
    %dma_start3A_297 = tpu.memref_slice %arg13[%rem3A_258, %dma_start3A_287] : memref<8x2x!tpu.dma_semaphore, #tpu.memory_space<semaphore_mem>> -> memref<1x1x!tpu.dma_semaphore, #tpu.memory_space<semaphore_mem>>
    %dma_start3A_298 = tpu.memref_squeeze %dma_start3A_297 : memref<1x1x!tpu.dma_semaphore, #tpu.memory_space<semaphore_mem>> -> memref<!tpu.dma_semaphore, #tpu.memory_space<semaphore_mem>>
    tpu.enqueue_indirect_dma source(%dma_start3A_296 : memref<100000x128xf32, #tpu.memory_space<hbm>>) target(%dma_start3A_291 : memref<32x128xf32, #tpu.memory_space<vmem>>) offsets(%dma_start3A_293 : memref<32xi32, #tpu.memory_space<vmem>>) semaphore(%dma_start3A_298 : memref<!tpu.dma_semaphore, #tpu.memory_space<semaphore_mem>>)
    %iota3A = tpu.iota {dimensions = array<i32: 0>} : vector<16xi32>
    %scan3A = arith.constant 0 : i32
    %scan3A_299 = arith.constant 0 : i32
    %scan3A_300 = arith.constant 16 : i32
    %scan3A_301 = arith.addi %scan3A_299, %scan3A_300 : i32
    %scan3A_302 = arith.constant 1 : i32
    scf.for %scan3A_306 = %scan3A_299 to %scan3A_301 step %scan3A_302  : i32 {
      %add3A_307 = arith.constant 8 : i32
      %add3A_308 = arith.addi %scan3A_306, %add3A_307 : i32
      %sub3A = arith.constant 1 : i32
      %sub3A_309 = arith.subi %add3A_308, %sub3A : i32
      %lt3A = arith.constant 16 : i32
      %lt3A_310 = arith.cmpi slt, %sub3A_309, %lt3A : i32
      %convert_element_type3A = arith.extui %lt3A_310 : i1 to i32
      %cond3A = arith.constant 0 : i32
      %cond3A_311 = arith.cmpi ne, %convert_element_type3A, %cond3A : i32
      scf.if %cond3A_311 {
        %add3A_357 = arith.constant 8 : i32
        %add3A_358 = arith.addi %scan3A_306, %add3A_357 : i32
        %sub3A_359 = arith.constant 1 : i32
        %sub3A_360 = arith.subi %add3A_358, %sub3A_359 : i32
        %rem3A_361 = arith.constant 8 : i32
        %rem3A_362 = arith.remsi %sub3A_360, %rem3A_361 : i32
        %div3A_363 = arith.constant 4 : i32
        %div3A_364 = arith.divsi %sub3A_360, %div3A_363 : i32
        %rem3A_365 = arith.constant 4 : i32
        %rem3A_366 = arith.remsi %sub3A_360, %rem3A_365 : i32
        %mul3A_367 = arith.constant 32 : i32
        %mul3A_368 = arith.muli %rem3A_366, %mul3A_367 : i32
        %dma_start3A_369 = arith.constant 0 : i32
        %dma_start3A_370 = arith.constant 0 : i32
        %dma_start3A_371 = arith.constant 0 : i32
        %dma_start3A_372 = tpu.memref_slice %arg9[%rem3A_362, %dma_start3A_370, %dma_start3A_371] : memref<8x32x128xf32, #tpu.memory_space<vmem>> -> memref<1x32x128xf32, #tpu.memory_space<vmem>>
        %dma_start3A_373 = tpu.memref_squeeze %dma_start3A_372 : memref<1x32x128xf32, #tpu.memory_space<vmem>> -> memref<32x128xf32, #tpu.memory_space<vmem>>
        %dma_start3A_374 = tpu.memref_slice %arg7[%div3A_364, %mul3A_368] : memref<4x128xi32, #tpu.memory_space<vmem>> -> memref<1x32xi32, #tpu.memory_space<vmem>>
        %dma_start3A_375 = tpu.memref_squeeze %dma_start3A_374 : memref<1x32xi32, #tpu.memory_space<vmem>> -> memref<32xi32, #tpu.memory_space<vmem>>
        %dma_start3A_376 = arith.constant 0 : i32
        %dma_start3A_377 = arith.constant 0 : i32
        %dma_start3A_378 = tpu.memref_slice %arg4[%dma_start3A_376, %dma_start3A_377] : memref<100000x128xf32, #tpu.memory_space<hbm>> -> memref<100000x128xf32, #tpu.memory_space<hbm>>
        %dma_start3A_379 = tpu.memref_slice %arg13[%rem3A_362, %dma_start3A_369] : memref<8x2x!tpu.dma_semaphore, #tpu.memory_space<semaphore_mem>> -> memref<1x1x!tpu.dma_semaphore, #tpu.memory_space<semaphore_mem>>
        %dma_start3A_380 = tpu.memref_squeeze %dma_start3A_379 : memref<1x1x!tpu.dma_semaphore, #tpu.memory_space<semaphore_mem>> -> memref<!tpu.dma_semaphore, #tpu.memory_space<semaphore_mem>>
        tpu.enqueue_indirect_dma source(%dma_start3A_378 : memref<100000x128xf32, #tpu.memory_space<hbm>>) target(%dma_start3A_373 : memref<32x128xf32, #tpu.memory_space<vmem>>) offsets(%dma_start3A_375 : memref<32xi32, #tpu.memory_space<vmem>>) semaphore(%dma_start3A_380 : memref<!tpu.dma_semaphore, #tpu.memory_space<semaphore_mem>>)
        %div3A_381 = arith.constant 4 : i32
        %div3A_382 = arith.divsi %sub3A_360, %div3A_381 : i32
        %rem3A_383 = arith.constant 4 : i32
        %rem3A_384 = arith.remsi %sub3A_360, %rem3A_383 : i32
        %mul3A_385 = arith.constant 32 : i32
        %mul3A_386 = arith.muli %rem3A_384, %mul3A_385 : i32
        %dma_start3A_387 = arith.constant 1 : i32
        %dma_start3A_388 = arith.constant 0 : i32
        %dma_start3A_389 = arith.constant 0 : i32
        %dma_start3A_390 = tpu.memref_slice %arg10[%rem3A_362, %dma_start3A_388, %dma_start3A_389] : memref<8x32x128xf32, #tpu.memory_space<vmem>> -> memref<1x32x128xf32, #tpu.memory_space<vmem>>
        %dma_start3A_391 = tpu.memref_squeeze %dma_start3A_390 : memref<1x32x128xf32, #tpu.memory_space<vmem>> -> memref<32x128xf32, #tpu.memory_space<vmem>>
        %dma_start3A_392 = tpu.memref_slice %arg8[%div3A_382, %mul3A_386] : memref<4x128xi32, #tpu.memory_space<vmem>> -> memref<1x32xi32, #tpu.memory_space<vmem>>
        %dma_start3A_393 = tpu.memref_squeeze %dma_start3A_392 : memref<1x32xi32, #tpu.memory_space<vmem>> -> memref<32xi32, #tpu.memory_space<vmem>>
        %dma_start3A_394 = arith.constant 0 : i32
        %dma_start3A_395 = arith.constant 0 : i32
        %dma_start3A_396 = tpu.memref_slice %arg5[%dma_start3A_394, %dma_start3A_395] : memref<100000x128xf32, #tpu.memory_space<hbm>> -> memref<100000x128xf32, #tpu.memory_space<hbm>>
        %dma_start3A_397 = tpu.memref_slice %arg13[%rem3A_362, %dma_start3A_387] : memref<8x2x!tpu.dma_semaphore, #tpu.memory_space<semaphore_mem>> -> memref<1x1x!tpu.dma_semaphore, #tpu.memory_space<semaphore_mem>>
        %dma_start3A_398 = tpu.memref_squeeze %dma_start3A_397 : memref<1x1x!tpu.dma_semaphore, #tpu.memory_space<semaphore_mem>> -> memref<!tpu.dma_semaphore, #tpu.memory_space<semaphore_mem>>
        tpu.enqueue_indirect_dma source(%dma_start3A_396 : memref<100000x128xf32, #tpu.memory_space<hbm>>) target(%dma_start3A_391 : memref<32x128xf32, #tpu.memory_space<vmem>>) offsets(%dma_start3A_393 : memref<32xi32, #tpu.memory_space<vmem>>) semaphore(%dma_start3A_398 : memref<!tpu.dma_semaphore, #tpu.memory_space<semaphore_mem>>)
      } else {
      }
      %rem3A_312 = arith.constant 8 : i32
      %rem3A_313 = arith.remsi %scan3A_306, %rem3A_312 : i32
      %div3A_314 = arith.constant 4 : i32
      %div3A_315 = arith.divsi %scan3A_306, %div3A_314 : i32
      %rem3A_316 = arith.constant 4 : i32
      %rem3A_317 = arith.remsi %scan3A_306, %rem3A_316 : i32
      %mul3A_318 = arith.constant 32 : i32
      %mul3A_319 = arith.muli %rem3A_317, %mul3A_318 : i32
      %dma_wait3A = arith.constant 0 : i32
      %dma_wait3A_320 = arith.constant 0 : i32
      %dma_wait3A_321 = arith.constant 0 : i32
      %dma_wait3A_322 = tpu.memref_slice %arg9[%rem3A_313, %dma_wait3A_320, %dma_wait3A_321] : memref<8x32x128xf32, #tpu.memory_space<vmem>> -> memref<1x32x128xf32, #tpu.memory_space<vmem>>
      %dma_wait3A_323 = tpu.memref_squeeze %dma_wait3A_322 : memref<1x32x128xf32, #tpu.memory_space<vmem>> -> memref<32x128xf32, #tpu.memory_space<vmem>>
      %dma_wait3A_324 = tpu.memref_slice %arg7[%div3A_315, %mul3A_319] : memref<4x128xi32, #tpu.memory_space<vmem>> -> memref<1x32xi32, #tpu.memory_space<vmem>>
      %dma_wait3A_325 = tpu.memref_squeeze %dma_wait3A_324 : memref<1x32xi32, #tpu.memory_space<vmem>> -> memref<32xi32, #tpu.memory_space<vmem>>
      %dma_wait3A_326 = arith.constant 0 : i32
      %dma_wait3A_327 = arith.constant 0 : i32
      %dma_wait3A_328 = tpu.memref_slice %arg4[%dma_wait3A_326, %dma_wait3A_327] : memref<100000x128xf32, #tpu.memory_space<hbm>> -> memref<100000x128xf32, #tpu.memory_space<hbm>>
      %dma_wait3A_329 = tpu.memref_slice %arg13[%rem3A_313, %dma_wait3A] : memref<8x2x!tpu.dma_semaphore, #tpu.memory_space<semaphore_mem>> -> memref<1x1x!tpu.dma_semaphore, #tpu.memory_space<semaphore_mem>>
      %dma_wait3A_330 = tpu.memref_squeeze %dma_wait3A_329 : memref<1x1x!tpu.dma_semaphore, #tpu.memory_space<semaphore_mem>> -> memref<!tpu.dma_semaphore, #tpu.memory_space<semaphore_mem>>
      tpu.wait_indirect_dma semaphore(%dma_wait3A_330 : memref<!tpu.dma_semaphore, #tpu.memory_space<semaphore_mem>>) src(%dma_wait3A_328 : memref<100000x128xf32, #tpu.memory_space<hbm>>) dst(%dma_wait3A_323 : memref<32x128xf32, #tpu.memory_space<vmem>>)
      %div3A_331 = arith.constant 4 : i32
      %div3A_332 = arith.divsi %scan3A_306, %div3A_331 : i32
      %rem3A_333 = arith.constant 4 : i32
      %rem3A_334 = arith.remsi %scan3A_306, %rem3A_333 : i32
      %mul3A_335 = arith.constant 32 : i32
      %mul3A_336 = arith.muli %rem3A_334, %mul3A_335 : i32
      %dma_wait3A_337 = arith.constant 1 : i32
      %dma_wait3A_338 = arith.constant 0 : i32
      %dma_wait3A_339 = arith.constant 0 : i32
      %dma_wait3A_340 = tpu.memref_slice %arg10[%rem3A_313, %dma_wait3A_338, %dma_wait3A_339] : memref<8x32x128xf32, #tpu.memory_space<vmem>> -> memref<1x32x128xf32, #tpu.memory_space<vmem>>
      %dma_wait3A_341 = tpu.memref_squeeze %dma_wait3A_340 : memref<1x32x128xf32, #tpu.memory_space<vmem>> -> memref<32x128xf32, #tpu.memory_space<vmem>>
      %dma_wait3A_342 = tpu.memref_slice %arg8[%div3A_332, %mul3A_336] : memref<4x128xi32, #tpu.memory_space<vmem>> -> memref<1x32xi32, #tpu.memory_space<vmem>>
      %dma_wait3A_343 = tpu.memref_squeeze %dma_wait3A_342 : memref<1x32xi32, #tpu.memory_space<vmem>> -> memref<32xi32, #tpu.memory_space<vmem>>
      %dma_wait3A_344 = arith.constant 0 : i32
      %dma_wait3A_345 = arith.constant 0 : i32
      %dma_wait3A_346 = tpu.memref_slice %arg5[%dma_wait3A_344, %dma_wait3A_345] : memref<100000x128xf32, #tpu.memory_space<hbm>> -> memref<100000x128xf32, #tpu.memory_space<hbm>>
      %dma_wait3A_347 = tpu.memref_slice %arg13[%rem3A_313, %dma_wait3A_337] : memref<8x2x!tpu.dma_semaphore, #tpu.memory_space<semaphore_mem>> -> memref<1x1x!tpu.dma_semaphore, #tpu.memory_space<semaphore_mem>>
      %dma_wait3A_348 = tpu.memref_squeeze %dma_wait3A_347 : memref<1x1x!tpu.dma_semaphore, #tpu.memory_space<semaphore_mem>> -> memref<!tpu.dma_semaphore, #tpu.memory_space<semaphore_mem>>
      tpu.wait_indirect_dma semaphore(%dma_wait3A_348 : memref<!tpu.dma_semaphore, #tpu.memory_space<semaphore_mem>>) src(%dma_wait3A_346 : memref<100000x128xf32, #tpu.memory_space<hbm>>) dst(%dma_wait3A_341 : memref<32x128xf32, #tpu.memory_space<vmem>>)
      %rem3A_349 = arith.constant 8 : i32
      %rem3A_350 = arith.remsi %scan3A_306, %rem3A_349 : i32
      %scan3A_351 = arith.constant 0 : i32
      %scan3A_352 = arith.constant 0 : i32
      %scan3A_353 = arith.constant 2 : i32
      %scan3A_354 = arith.addi %scan3A_352, %scan3A_353 : i32
      %scan3A_355 = arith.constant 1 : i32
      scf.for %scan3A_357 = %scan3A_352 to %scan3A_354 step %scan3A_355  : i32 {
        %mul3A_358 = arith.constant 16 : i32
        %mul3A_359 = arith.muli %scan3A_357, %mul3A_358 : i32
        %scan3A_360 = arith.constant 0 : i32
        %scan3A_361 = arith.constant 0 : i32
        %scan3A_362 = arith.constant 16 : i32
        %scan3A_363 = arith.addi %scan3A_361, %scan3A_362 : i32
        %scan3A_364 = arith.constant 1 : i32
        scf.for %scan3A_493 = %scan3A_361 to %scan3A_363 step %scan3A_364  : i32 {
          %add3A_494 = arith.addi %mul3A_359, %scan3A_493 : i32
          %get3A = arith.index_cast %rem3A_350 : i32 to index
          %get3A_495 = arith.index_cast %add3A_494 : i32 to index
          %get3A_496 = arith.constant 0 : index
          %get3A_497 = tpu.vector_load %arg9[%get3A, %get3A_495, %get3A_496] {strides = array<i32>} : memref<8x32x128xf32, #tpu.memory_space<vmem>>, vector<16xf32>,
          %get3A_498 = arith.index_cast %rem3A_350 : i32 to index
          %get3A_499 = arith.index_cast %add3A_494 : i32 to index
          %get3A_500 = arith.constant 0 : index
          %get3A_501 = tpu.vector_load %arg10[%get3A_498, %get3A_499, %get3A_500] {strides = array<i32>} : memref<8x32x128xf32, #tpu.memory_space<vmem>>, vector<16xf32>,
          %mul3A_502 = arith.mulf %get3A_497, %get3A_501 : vector<16xf32>
          %get3A_503 = arith.index_cast %rem3A_350 : i32 to index
          %get3A_504 = arith.index_cast %add3A_494 : i32 to index
          %get3A_505 = arith.constant 16 : index
          %get3A_506 = tpu.vector_load %arg9[%get3A_503, %get3A_504, %get3A_505] {strides = array<i32>} : memref<8x32x128xf32, #tpu.memory_space<vmem>>, vector<16xf32>,
          %get3A_507 = arith.index_cast %rem3A_350 : i32 to index
          %get3A_508 = arith.index_cast %add3A_494 : i32 to index
          %get3A_509 = arith.constant 16 : index
          %get3A_510 = tpu.vector_load %arg10[%get3A_507, %get3A_508, %get3A_509] {strides = array<i32>} : memref<8x32x128xf32, #tpu.memory_space<vmem>>, vector<16xf32>,
          %mul3A_511 = arith.mulf %get3A_506, %get3A_510 : vector<16xf32>
          %add3A_512 = arith.addf %mul3A_502, %mul3A_511 : vector<16xf32>
          %get3A_513 = arith.index_cast %rem3A_350 : i32 to index
          %get3A_514 = arith.index_cast %add3A_494 : i32 to index
          %get3A_515 = arith.constant 32 : index
          %get3A_516 = tpu.vector_load %arg9[%get3A_513, %get3A_514, %get3A_515] {strides = array<i32>} : memref<8x32x128xf32, #tpu.memory_space<vmem>>, vector<16xf32>,
          %get3A_517 = arith.index_cast %rem3A_350 : i32 to index
          %get3A_518 = arith.index_cast %add3A_494 : i32 to index
          %get3A_519 = arith.constant 32 : index
          %get3A_520 = tpu.vector_load %arg10[%get3A_517, %get3A_518, %get3A_519] {strides = array<i32>} : memref<8x32x128xf32, #tpu.memory_space<vmem>>, vector<16xf32>,
          %mul3A_521 = arith.mulf %get3A_516, %get3A_520 : vector<16xf32>
          %add3A_522 = arith.addf %add3A_512, %mul3A_521 : vector<16xf32>
          %get3A_523 = arith.index_cast %rem3A_350 : i32 to index
          %get3A_524 = arith.index_cast %add3A_494 : i32 to index
          %get3A_525 = arith.constant 48 : index
          %get3A_526 = tpu.vector_load %arg9[%get3A_523, %get3A_524, %get3A_525] {strides = array<i32>} : memref<8x32x128xf32, #tpu.memory_space<vmem>>, vector<16xf32>,
          %get3A_527 = arith.index_cast %rem3A_350 : i32 to index
          %get3A_528 = arith.index_cast %add3A_494 : i32 to index
          %get3A_529 = arith.constant 48 : index
          %get3A_530 = tpu.vector_load %arg10[%get3A_527, %get3A_528, %get3A_529] {strides = array<i32>} : memref<8x32x128xf32, #tpu.memory_space<vmem>>, vector<16xf32>,
          %mul3A_531 = arith.mulf %get3A_526, %get3A_530 : vector<16xf32>
          %add3A_532 = arith.addf %add3A_522, %mul3A_531 : vector<16xf32>
          %get3A_533 = arith.index_cast %rem3A_350 : i32 to index
          %get3A_534 = arith.index_cast %add3A_494 : i32 to index
          %get3A_535 = arith.constant 64 : index
          %get3A_536 = tpu.vector_load %arg9[%get3A_533, %get3A_534, %get3A_535] {strides = array<i32>} : memref<8x32x128xf32, #tpu.memory_space<vmem>>, vector<16xf32>,
          %get3A_537 = arith.index_cast %rem3A_350 : i32 to index
          %get3A_538 = arith.index_cast %add3A_494 : i32 to index
          %get3A_539 = arith.constant 64 : index
          %get3A_540 = tpu.vector_load %arg10[%get3A_537, %get3A_538, %get3A_539] {strides = array<i32>} : memref<8x32x128xf32, #tpu.memory_space<vmem>>, vector<16xf32>,
          %mul3A_541 = arith.mulf %get3A_536, %get3A_540 : vector<16xf32>
          %add3A_542 = arith.addf %add3A_532, %mul3A_541 : vector<16xf32>
          %get3A_543 = arith.index_cast %rem3A_350 : i32 to index
          %get3A_544 = arith.index_cast %add3A_494 : i32 to index
          %get3A_545 = arith.constant 80 : index
          %get3A_546 = tpu.vector_load %arg9[%get3A_543, %get3A_544, %get3A_545] {strides = array<i32>} : memref<8x32x128xf32, #tpu.memory_space<vmem>>, vector<16xf32>,
          %get3A_547 = arith.index_cast %rem3A_350 : i32 to index
          %get3A_548 = arith.index_cast %add3A_494 : i32 to index
          %get3A_549 = arith.constant 80 : index
          %get3A_550 = tpu.vector_load %arg10[%get3A_547, %get3A_548, %get3A_549] {strides = array<i32>} : memref<8x32x128xf32, #tpu.memory_space<vmem>>, vector<16xf32>,
          %mul3A_551 = arith.mulf %get3A_546, %get3A_550 : vector<16xf32>
          %add3A_552 = arith.addf %add3A_542, %mul3A_551 : vector<16xf32>
          %get3A_553 = arith.index_cast %rem3A_350 : i32 to index
          %get3A_554 = arith.index_cast %add3A_494 : i32 to index
          %get3A_555 = arith.constant 96 : index
          %get3A_556 = tpu.vector_load %arg9[%get3A_553, %get3A_554, %get3A_555] {strides = array<i32>} : memref<8x32x128xf32, #tpu.memory_space<vmem>>, vector<16xf32>,
          %get3A_557 = arith.index_cast %rem3A_350 : i32 to index
          %get3A_558 = arith.index_cast %add3A_494 : i32 to index
          %get3A_559 = arith.constant 96 : index
          %get3A_560 = tpu.vector_load %arg10[%get3A_557, %get3A_558, %get3A_559] {strides = array<i32>} : memref<8x32x128xf32, #tpu.memory_space<vmem>>, vector<16xf32>,
          %mul3A_561 = arith.mulf %get3A_556, %get3A_560 : vector<16xf32>
          %add3A_562 = arith.addf %add3A_552, %mul3A_561 : vector<16xf32>
          %get3A_563 = arith.index_cast %rem3A_350 : i32 to index
          %get3A_564 = arith.index_cast %add3A_494 : i32 to index
          %get3A_565 = arith.constant 112 : index
          %get3A_566 = tpu.vector_load %arg9[%get3A_563, %get3A_564, %get3A_565] {strides = array<i32>} : memref<8x32x128xf32, #tpu.memory_space<vmem>>, vector<16xf32>,
          %get3A_567 = arith.index_cast %rem3A_350 : i32 to index
          %get3A_568 = arith.index_cast %add3A_494 : i32 to index
          %get3A_569 = arith.constant 112 : index
          %get3A_570 = tpu.vector_load %arg10[%get3A_567, %get3A_568, %get3A_569] {strides = array<i32>} : memref<8x32x128xf32, #tpu.memory_space<vmem>>, vector<16xf32>,
          %mul3A_571 = arith.mulf %get3A_566, %get3A_570 : vector<16xf32>
          %add3A_572 = arith.addf %add3A_562, %mul3A_571 : vector<16xf32>
          %mul3A_573 = arith.constant 16 : i32
          %mul3A_574 = arith.muli %scan3A_493, %mul3A_573 : i32
          %swap3A_575 = arith.index_cast %mul3A_574 : i32 to index
          %swap3A_576 = tpu.vector_load %arg11[%swap3A_575] {strides = array<i32>} : memref<256xf32, #tpu.memory_space<vmem>>, vector<16xf32>,
          tpu.vector_store %arg11[%swap3A_575], %add3A_572 {strides = array<i32>} : memref<256xf32, #tpu.memory_space<vmem>>, vector<16xf32>,
        }
        %scan3A_365 = arith.constant 16 : i32
        %mul3A_366 = arith.constant 16 : i32
        %mul3A_367 = vector.broadcast %mul3A_366 : i32 to vector<16xi32>
        %mul3A_368 = arith.muli %iota3A, %mul3A_367 : vector<16xi32>
        %gather3A = tpu.vector_load_idx %arg11[%mul3A_368] : memref<256xf32, #tpu.memory_space<vmem>>[vector<16xi32>], vector<16xf32>,
        %mul3A_369 = arith.constant 16 : i32
        %mul3A_370 = vector.broadcast %mul3A_369 : i32 to vector<16xi32>
        %mul3A_371 = arith.muli %iota3A, %mul3A_370 : vector<16xi32>
        %add3A_372 = arith.constant 1 : i32
        %add3A_373 = vector.broadcast %add3A_372 : i32 to vector<16xi32>
        %add3A_374 = arith.addi %mul3A_371, %add3A_373 : vector<16xi32>
        %gather3A_375 = tpu.vector_load_idx %arg11[%add3A_374] : memref<256xf32, #tpu.memory_space<vmem>>[vector<16xi32>], vector<16xf32>,
        %add3A_376 = arith.addf %gather3A, %gather3A_375 : vector<16xf32>
        %mul3A_377 = arith.constant 16 : i32
        %mul3A_378 = vector.broadcast %mul3A_377 : i32 to vector<16xi32>
        %mul3A_379 = arith.muli %iota3A, %mul3A_378 : vector<16xi32>
        %add3A_380 = arith.constant 2 : i32
        %add3A_381 = vector.broadcast %add3A_380 : i32 to vector<16xi32>
        %add3A_382 = arith.addi %mul3A_379, %add3A_381 : vector<16xi32>
        %gather3A_383 = tpu.vector_load_idx %arg11[%add3A_382] : memref<256xf32, #tpu.memory_space<vmem>>[vector<16xi32>], vector<16xf32>,
        %add3A_384 = arith.addf %add3A_376, %gather3A_383 : vector<16xf32>
        %mul3A_385 = arith.constant 16 : i32
        %mul3A_386 = vector.broadcast %mul3A_385 : i32 to vector<16xi32>
        %mul3A_387 = arith.muli %iota3A, %mul3A_386 : vector<16xi32>
        %add3A_388 = arith.constant 3 : i32
        %add3A_389 = vector.broadcast %add3A_388 : i32 to vector<16xi32>
        %add3A_390 = arith.addi %mul3A_387, %add3A_389 : vector<16xi32>
        %gather3A_391 = tpu.vector_load_idx %arg11[%add3A_390] : memref<256xf32, #tpu.memory_space<vmem>>[vector<16xi32>], vector<16xf32>,
        %add3A_392 = arith.addf %add3A_384, %gather3A_391 : vector<16xf32>
        %mul3A_393 = arith.constant 16 : i32
        %mul3A_394 = vector.broadcast %mul3A_393 : i32 to vector<16xi32>
        %mul3A_395 = arith.muli %iota3A, %mul3A_394 : vector<16xi32>
        %add3A_396 = arith.constant 4 : i32
        %add3A_397 = vector.broadcast %add3A_396 : i32 to vector<16xi32>
        %add3A_398 = arith.addi %mul3A_395, %add3A_397 : vector<16xi32>
        %gather3A_399 = tpu.vector_load_idx %arg11[%add3A_398] : memref<256xf32, #tpu.memory_space<vmem>>[vector<16xi32>], vector<16xf32>,
        %add3A_400 = arith.addf %add3A_392, %gather3A_399 : vector<16xf32>
        %mul3A_401 = arith.constant 16 : i32
        %mul3A_402 = vector.broadcast %mul3A_401 : i32 to vector<16xi32>
        %mul3A_403 = arith.muli %iota3A, %mul3A_402 : vector<16xi32>
        %add3A_404 = arith.constant 5 : i32
        %add3A_405 = vector.broadcast %add3A_404 : i32 to vector<16xi32>
        %add3A_406 = arith.addi %mul3A_403, %add3A_405 : vector<16xi32>
        %gather3A_407 = tpu.vector_load_idx %arg11[%add3A_406] : memref<256xf32, #tpu.memory_space<vmem>>[vector<16xi32>], vector<16xf32>,
        %add3A_408 = arith.addf %add3A_400, %gather3A_407 : vector<16xf32>
        %mul3A_409 = arith.constant 16 : i32
        %mul3A_410 = vector.broadcast %mul3A_409 : i32 to vector<16xi32>
        %mul3A_411 = arith.muli %iota3A, %mul3A_410 : vector<16xi32>
        %add3A_412 = arith.constant 6 : i32
        %add3A_413 = vector.broadcast %add3A_412 : i32 to vector<16xi32>
        %add3A_414 = arith.addi %mul3A_411, %add3A_413 : vector<16xi32>
        %gather3A_415 = tpu.vector_load_idx %arg11[%add3A_414] : memref<256xf32, #tpu.memory_space<vmem>>[vector<16xi32>], vector<16xf32>,
        %add3A_416 = arith.addf %add3A_408, %gather3A_415 : vector<16xf32>
        %mul3A_417 = arith.constant 16 : i32
        %mul3A_418 = vector.broadcast %mul3A_417 : i32 to vector<16xi32>
        %mul3A_419 = arith.muli %iota3A, %mul3A_418 : vector<16xi32>
        %add3A_420 = arith.constant 7 : i32
        %add3A_421 = vector.broadcast %add3A_420 : i32 to vector<16xi32>
        %add3A_422 = arith.addi %mul3A_419, %add3A_421 : vector<16xi32>
        %gather3A_423 = tpu.vector_load_idx %arg11[%add3A_422] : memref<256xf32, #tpu.memory_space<vmem>>[vector<16xi32>], vector<16xf32>,
        %add3A_424 = arith.addf %add3A_416, %gather3A_423 : vector<16xf32>
        %mul3A_425 = arith.constant 16 : i32
        %mul3A_426 = vector.broadcast %mul3A_425 : i32 to vector<16xi32>
        %mul3A_427 = arith.muli %iota3A, %mul3A_426 : vector<16xi32>
        %add3A_428 = arith.constant 8 : i32
        %add3A_429 = vector.broadcast %add3A_428 : i32 to vector<16xi32>
        %add3A_430 = arith.addi %mul3A_427, %add3A_429 : vector<16xi32>
        %gather3A_431 = tpu.vector_load_idx %arg11[%add3A_430] : memref<256xf32, #tpu.memory_space<vmem>>[vector<16xi32>], vector<16xf32>,
        %add3A_432 = arith.addf %add3A_424, %gather3A_431 : vector<16xf32>
        %mul3A_433 = arith.constant 16 : i32
        %mul3A_434 = vector.broadcast %mul3A_433 : i32 to vector<16xi32>
        %mul3A_435 = arith.muli %iota3A, %mul3A_434 : vector<16xi32>
        %add3A_436 = arith.constant 9 : i32
        %add3A_437 = vector.broadcast %add3A_436 : i32 to vector<16xi32>
        %add3A_438 = arith.addi %mul3A_435, %add3A_437 : vector<16xi32>
        %gather3A_439 = tpu.vector_load_idx %arg11[%add3A_438] : memref<256xf32, #tpu.memory_space<vmem>>[vector<16xi32>], vector<16xf32>,
        %add3A_440 = arith.addf %add3A_432, %gather3A_439 : vector<16xf32>
        %mul3A_441 = arith.constant 16 : i32
        %mul3A_442 = vector.broadcast %mul3A_441 : i32 to vector<16xi32>
        %mul3A_443 = arith.muli %iota3A, %mul3A_442 : vector<16xi32>
        %add3A_444 = arith.constant 10 : i32
        %add3A_445 = vector.broadcast %add3A_444 : i32 to vector<16xi32>
        %add3A_446 = arith.addi %mul3A_443, %add3A_445 : vector<16xi32>
        %gather3A_447 = tpu.vector_load_idx %arg11[%add3A_446] : memref<256xf32, #tpu.memory_space<vmem>>[vector<16xi32>], vector<16xf32>,
        %add3A_448 = arith.addf %add3A_440, %gather3A_447 : vector<16xf32>
        %mul3A_449 = arith.constant 16 : i32
        %mul3A_450 = vector.broadcast %mul3A_449 : i32 to vector<16xi32>
        %mul3A_451 = arith.muli %iota3A, %mul3A_450 : vector<16xi32>
        %add3A_452 = arith.constant 11 : i32
        %add3A_453 = vector.broadcast %add3A_452 : i32 to vector<16xi32>
        %add3A_454 = arith.addi %mul3A_451, %add3A_453 : vector<16xi32>
        %gather3A_455 = tpu.vector_load_idx %arg11[%add3A_454] : memref<256xf32, #tpu.memory_space<vmem>>[vector<16xi32>], vector<16xf32>,
        %add3A_456 = arith.addf %add3A_448, %gather3A_455 : vector<16xf32>
        %mul3A_457 = arith.constant 16 : i32
        %mul3A_458 = vector.broadcast %mul3A_457 : i32 to vector<16xi32>
        %mul3A_459 = arith.muli %iota3A, %mul3A_458 : vector<16xi32>
        %add3A_460 = arith.constant 12 : i32
        %add3A_461 = vector.broadcast %add3A_460 : i32 to vector<16xi32>
        %add3A_462 = arith.addi %mul3A_459, %add3A_461 : vector<16xi32>
        %gather3A_463 = tpu.vector_load_idx %arg11[%add3A_462] : memref<256xf32, #tpu.memory_space<vmem>>[vector<16xi32>], vector<16xf32>,
        %add3A_464 = arith.addf %add3A_456, %gather3A_463 : vector<16xf32>
        %mul3A_465 = arith.constant 16 : i32
        %mul3A_466 = vector.broadcast %mul3A_465 : i32 to vector<16xi32>
        %mul3A_467 = arith.muli %iota3A, %mul3A_466 : vector<16xi32>
        %add3A_468 = arith.constant 13 : i32
        %add3A_469 = vector.broadcast %add3A_468 : i32 to vector<16xi32>
        %add3A_470 = arith.addi %mul3A_467, %add3A_469 : vector<16xi32>
        %gather3A_471 = tpu.vector_load_idx %arg11[%add3A_470] : memref<256xf32, #tpu.memory_space<vmem>>[vector<16xi32>], vector<16xf32>,
        %add3A_472 = arith.addf %add3A_464, %gather3A_471 : vector<16xf32>
        %mul3A_473 = arith.constant 16 : i32
        %mul3A_474 = vector.broadcast %mul3A_473 : i32 to vector<16xi32>
        %mul3A_475 = arith.muli %iota3A, %mul3A_474 : vector<16xi32>
        %add3A_476 = arith.constant 14 : i32
        %add3A_477 = vector.broadcast %add3A_476 : i32 to vector<16xi32>
        %add3A_478 = arith.addi %mul3A_475, %add3A_477 : vector<16xi32>
        %gather3A_479 = tpu.vector_load_idx %arg11[%add3A_478] : memref<256xf32, #tpu.memory_space<vmem>>[vector<16xi32>], vector<16xf32>,
        %add3A_480 = arith.addf %add3A_472, %gather3A_479 : vector<16xf32>
        %mul3A_481 = arith.constant 16 : i32
        %mul3A_482 = vector.broadcast %mul3A_481 : i32 to vector<16xi32>
        %mul3A_483 = arith.muli %iota3A, %mul3A_482 : vector<16xi32>
        %add3A_484 = arith.constant 15 : i32
        %add3A_485 = vector.broadcast %add3A_484 : i32 to vector<16xi32>
        %add3A_486 = arith.addi %mul3A_483, %add3A_485 : vector<16xi32>
        %gather3A_487 = tpu.vector_load_idx %arg11[%add3A_486] : memref<256xf32, #tpu.memory_space<vmem>>[vector<16xi32>], vector<16xf32>,
        %add3A_488 = arith.addf %add3A_480, %gather3A_487 : vector<16xf32>
        %mul3A_489 = arith.constant 32 : i32
        %mul3A_490 = arith.muli %scan3A_306, %mul3A_489 : i32
        %add3A_491 = arith.addi %mul3A_490, %mul3A_359 : i32
        %swap3A = arith.index_cast %add3A_491 : i32 to index
        %swap3A_492 = tpu.vector_load %arg12[%swap3A] {strides = array<i32>} : memref<512xf32, #tpu.memory_space<vmem>>, vector<16xf32>,
        tpu.vector_store %arg12[%swap3A], %add3A_488 {strides = array<i32>} : memref<512xf32, #tpu.memory_space<vmem>>, vector<16xf32>,
      }
      %scan3A_356 = arith.constant 2 : i32
    }
    %scan3A_303 = arith.constant 16 : i32
    %mul3A_304 = arith.constant 512 : i32
    %mul3A_305 = arith.muli %add3A, %mul3A_304 : i32
    "tpu.region"() ({
      %run_scoped3A = tpu.sem_alloc : memref<!tpu.dma_semaphore, #tpu.memory_space<semaphore_mem>>
      %dma_start3A_306 = tpu.memref_slice %arg6[%mul3A_305] : memref<16384xf32, #tpu.memory_space<hbm>> -> memref<512xf32, #tpu.memory_space<hbm>>
      %dma_start3A_307 = tpu.memref_slice %arg6[%mul3A_305] : memref<16384xf32, #tpu.memory_space<hbm>> -> memref<512xf32, #tpu.memory_space<hbm>>
      tpu.enqueue_dma source(%arg12 : memref<512xf32, #tpu.memory_space<vmem>>) target(%dma_start3A_307 : memref<512xf32, #tpu.memory_space<hbm>>) target_semaphore(%run_scoped3A : memref<!tpu.dma_semaphore, #tpu.memory_space<semaphore_mem>>)
      %dma_wait3A = tpu.memref_slice %arg6[%mul3A_305] : memref<16384xf32, #tpu.memory_space<hbm>> -> memref<512xf32, #tpu.memory_space<hbm>>
      %dma_wait3A_308 = tpu.memref_slice %arg6[%mul3A_305] : memref<16384xf32, #tpu.memory_space<hbm>> -> memref<512xf32, #tpu.memory_space<hbm>>
      tpu.wait_dma2 semaphore(%run_scoped3A : memref<!tpu.dma_semaphore, #tpu.memory_space<semaphore_mem>>) src(%arg12 : memref<512xf32, #tpu.memory_space<vmem>>) dst(%dma_wait3A_308 : memref<512xf32, #tpu.memory_space<hbm>>)
      tpu.yield
    }) : () -> ()
    return
  }
}

</mosaic_0001>

<sc_bundles>
// kernel: kernel.3.cloned.1.call-start
scs
__scs_entry_jumppad:
0x0: {  	(pc) =	sbr.rel $0x88, $3  }
0x1: {  	(tag) =	ssettag $0x0;
	lr =	simm.s32 $0x1  }
0x2: {  	[smem:$0x3F9D] =	sst lr;
	_ =	strace $0xD0000000  }
0x3: {  	_ = 	snop  }
0x4: {  	_ = 	snop  }
0x5: {  	_ = 	snop  }
0x6: {  	_ = 	snop  }
0x7: {  	_ = 	snop  }
__scs_overlays_trampoline_lowered:
0x8: {  	[smem:$0x3FAC] =	sst s0  }
0x9: {  	[smem:$0x3FAD] =	sst s1  }
0xa: {  	[smem:$0x3FAE] =	sst s2  }
0xb: {  	[smem:$0x3FAF] =	sst s3  }
0xc: {  	[smem:$0x3FB0] =	sst s4  }
0xd: {  	[smem:$0x3FB1] =	sst s5  }
0xe: {  	[smem:$0x3FB2] =	sst s6  }
0xf: {  	[smem:$0x3FB3] =	sst s7  }
0x10: {  	[smem:$0x3FB4] =	sst s8  }
0x11: {  	[smem:$0x3FB5] =	sst s9;
	s0 =	simm.s32 @!p0 $0x0  }
0x12: {  	s1 =	sld [smem:$0x3F9B];
	s0 =	simm.s32 @p0 $0x1  }
0x13: {  	[smem:$0x3FB6] =	sst s0;
	s0 =	simm.s32 @!p1 $0x0  }
0x14: {  	s2 =	sld [smem:$0x3F9A];
	s0 =	simm.s32 @p1 $0x1  }
0x15: {  	[smem:$0x3FB7] =	sst s0;
	s0 =	simm.s32 @!p2 $0x0  }
0x16: {  	s3 =	sld [smem:$0x3FDB];
	s0 =	simm.s32 @p2 $0x1  }
0x17: {  	s4 =	simm.s32 $0x1BF5;
	[smem:$0x3FB9] =	sst s0  }
0x18: {  	s0 =	sld [smem:$0x3F9C];
	_ =	swait.ge [sflag:s4], $0x0  }
0x19: {  	s7 =	sld [smem:$0x3F9D]  }
0x1a: {  	s8 =	sadd.s32 $0xFFFFE003, lr  }
0x1b: {  	s9 =	sadd.s32 $0xFFFFFEF7, lr;
	s5 =	simm.s32 $0xFFFFFFFF;
	p2 =	slt.u32 s8, $0xFFFFF086  }
0x1c: {  	p1 =	slt.u32 s9, $0xF7A;
	s5 =	simm.s32 @!p2 $0x0  }
0x1d: {  	s5 =	simm.s32 @p1 $0x1;
	p0 =	seq.s32 s7, s2  }
0x1e: {  	s7 =	smul.u32 @!p0 $0xF7A, s2;
	p2 =	seq.s32 @!p0 s5, $0x0  }
0x1f: {  	s9 =	smul.u32 $0xF7A, s1;
	s8 =	simm.s32 @!p0 $0x1BF5;
	p2 =	por !p2, p0  }
0x20: {  	[sflag:s8] =	ssyncset.s32 @!p0 $0xFFFFF086;
	s6 =	sadd.s32 @!p0 s3, s7;
	s7 =	simm.s32 @!p0 $0x108  }
0x21: {  	s3 =	sadd.s32 s3, s9;
	s6 =	sadd.s32 @!p0 $0x88, s6;
	s7 =	simm.s32 @p2 $0x1082  }
0x22: {  	[simem:s7], [sflag:s8] =	dma.local @!p0 [hbm:s6], $0xF7A  }
0x23: {  	s9 =	sor.u32 $0xD0000000, s2;
	s6 =	simm.s32 $0x108;
	_ =	swait.ge @!p0 [sflag:s8], $0x0  }
0x24: {  	s3 =	sadd.s32 $0x88, s3;
	s6 =	simm.s32 @!p1 $0x1082;
	[sflag:s4] =	ssyncset.s32 $0xFFFFF086  }
0x25: {  	[simem:s6], [sflag:s4] =	dma.local [hbm:s3], $0xF7A  }
0x26: {  	[smem:$0x3F9D] =	sst s1;
	(tag) =	ssettag s2;
	_ =	strace s9  }
0x27: {  	s1 =	sld [smem:$0x3FAD]  }
0x28: {  	s2 =	sld [smem:$0x3FAE]  }
0x29: {  	s4 =	sld [smem:$0x3FB0]  }
0x2a: {  	p0 =	seq.s32 s5, $0x0;
	s5 =	sld [smem:$0x3FB1]  }
0x2b: {  	s6 =	sld [smem:$0x3FB2]  }
0x2c: {  	s7 =	sld [smem:$0x3FB3]  }
0x2d: {  	s3 =	simm.s32 $0x108;
	s8 =	sld [smem:$0x3FB4]  }
0x2e: {  	s3 =	simm.s32 @!p0 $0x1082;
	s9 =	sld [smem:$0x3FB5]  }
0x2f: {  	lr =	sadd.s32 s0, s3;
	s0 =	sld [smem:$0x3FAC]  }
0x30: {  	s3 =	sld [smem:$0x3FAF]  }
0x31: {  	[smem:$0x3FB8] =	sst s10  }
0x32: {  	s10 =	sld [smem:$0x3FB6];
	_ =	sdelay $0x3  }
0x33: {  	p0 =	seq.s32 s10, $0x1;
	s10 =	sld [smem:$0x3FB8];
	_ =	sdelay $0x3  }
0x34: {  	[smem:$0x3FB8] =	sst s10  }
0x35: {  	s10 =	sld [smem:$0x3FB7];
	_ =	sdelay $0x3  }
0x36: {  	p1 =	seq.s32 s10, $0x1;
	s10 =	sld [smem:$0x3FB8];
	_ =	sdelay $0x3  }
0x37: {  	[smem:$0x3FB8] =	sst s10  }
0x38: {  	s10 =	sld [smem:$0x3FB9]  }
0x39: {  	_ = 	snop;
	(pc) =	sbr.ind lr, $3  }
0x3a: {  	_ = 	snop  }
0x3b: {  	_ = 	snop  }
0x3c: {  	p2 =	seq.s32 s10, $0x1;
	s10 =	sld [smem:$0x3FB8]  }
0x3d: {  	_ =	shalt  }
0x3e: {  	_ =	shalt  }
0x3f: {  	_ =	shalt  }
0x40: {  	_ =	shalt  }
0x41: {  	_ =	shalt  }
0x42: {  	_ =	shalt  }
0x43: {  	_ =	shalt  }
0x44: {  	_ =	shalt  }
0x45: {  	_ =	shalt  }
0x46: {  	_ =	shalt  }
0x47: {  	_ =	shalt  }
0x48: {  	_ =	shalt  }
0x49: {  	_ =	shalt  }
0x4a: {  	_ =	shalt  }
0x4b: {  	_ =	shalt  }
0x4c: {  	_ =	shalt  }
0x4d: {  	_ =	shalt  }
0x4e: {  	_ =	shalt  }
0x4f: {  	_ =	shalt  }
0x50: {  	_ =	shalt  }
0x51: {  	_ =	shalt  }
0x52: {  	_ =	shalt  }
0x53: {  	_ =	shalt  }
0x54: {  	_ =	shalt  }
0x55: {  	_ =	shalt  }
0x56: {  	_ =	shalt  }
0x57: {  	_ =	shalt  }
0x58: {  	_ =	shalt  }
0x59: {  	_ =	shalt  }
0x5a: {  	_ =	shalt  }
0x5b: {  	_ =	shalt  }
0x5c: {  	_ =	shalt  }
0x5d: {  	_ =	shalt  }
0x5e: {  	_ =	shalt  }
0x5f: {  	_ =	shalt  }
0x60: {  	_ =	shalt  }
0x61: {  	_ =	shalt  }
0x62: {  	_ =	shalt  }
0x63: {  	_ =	shalt  }
0x64: {  	_ =	shalt  }
0x65: {  	_ =	shalt  }
0x66: {  	_ =	shalt  }
0x67: {  	_ =	shalt  }
0x68: {  	_ =	shalt  }
0x69: {  	_ =	shalt  }
0x6a: {  	_ =	shalt  }
0x6b: {  	_ =	shalt  }
0x6c: {  	_ =	shalt  }
0x6d: {  	_ =	shalt  }
0x6e: {  	_ =	shalt  }
0x6f: {  	_ =	shalt  }
0x70: {  	_ =	shalt  }
0x71: {  	_ =	shalt  }
0x72: {  	_ =	shalt  }
0x73: {  	_ =	shalt  }
0x74: {  	_ =	shalt  }
0x75: {  	_ =	shalt  }
0x76: {  	_ =	shalt  }
0x77: {  	_ =	shalt  }
0x78: {  	_ =	shalt  }
0x79: {  	_ =	shalt  }
0x7a: {  	_ =	shalt  }
0x7b: {  	_ =	shalt  }
0x7c: {  	_ =	shalt  }
0x7d: {  	_ =	shalt  }
0x7e: {  	_ =	shalt  }
0x7f: {  	_ =	shalt  }
0x80: {  	_ =	shalt  }
0x81: {  	_ =	shalt  }
0x82: {  	_ =	shalt  }
0x83: {  	_ =	shalt  }
0x84: {  	_ =	shalt  }
0x85: {  	_ =	shalt  }
0x86: {  	_ =	shalt  }
0x87: {  	_ =	shalt  }
.Lfunc_end0:
.L_simem_size_0:
called_computation_lowered:
.L_overlay_start_0:
0x88: {  	s2 =	sld [smem:$0x3FD9]  }
0x89: {  	s3 =	sld [smem:$0x3FFE];
	_ =	sdelay $0x1  }
0x8a: {  	s1 =	srdreg.scid  }
0x8b: {  	s0 =	sand.u32 $0x1, s1  }
0x8c: {  	s18 =	sshll.u32 s0, $0xA;
	s2 =	sadd.s32 s3, s2  }
0x8d: {  	s2 =	sadd.s32 s2, s18  }
0x8e: {  	[smem:$0x3FC4] =	sst s2  }
0x8f: {  	_ = 	snop  }
0x90: {  	s2 =	sld [smem:$0x3FC9]  }
0x91: {  	s19 =	sld [smem:$0x3FC8]  }
0x92: {  	s4 =	sld [smem:$0x3FC7]  }
0x93: {  	s5 =	sld [smem:$0x3FC6]  }
0x94: {  	s6 =	sld [smem:$0x3FD0];
	(tm) =	ssettm $0x1  }
0x95: {  	s7 =	sld [smem:$0x3FFB];
	_ =	sdelay $0x3  }
0x96: {  	_ =	strace s7  }
0x97: {  	s7 =	sld [smem:$0x3FFC];
	_ =	sdelay $0x3  }
0x98: {  	_ =	strace s7  }
0x99: {  	s7 =	sld [smem:$0x3FFD];
	_ =	sdelay $0x3  }
0x9a: {  	_ =	strace s7  }
0x9b: {  	_ =	strace $0x8FFFFFFF  }
0x9c: {  	s20 =	sld [smem:$0x3FDB];
	_ =	sdelay $0x1  }
0x9d: {  	s8 =	simm.s32 $_scs_section_size  }
0x9e: {  	s9 =	simm.s32 $_size__tile_overlayer_lowered;
	s10 =	simm.s32 $_tile_overlayer_lowered  }
0x9f: {  	s23 =	simm.s32 $0x1BFF;
	s22 =	sshll.u32 s10, $0x1;
	s7 =	sadd.s32 s8, s20  }
0xa0: {  	s11 =	simm.s32 $0x0;
	s21 =	sshll.u32 s9, $0x1;
	s9 =	sadd.s32 s22, s7  }
0xa1: {  	[timem:s11], [sflag:s23] =	dma.local [hbm:s9], s21  }
0xa2: {  	_ =	swait.ge [sflag:s23], s21  }
0xa3: {  	s8 =	ssub.s32 $0x0, s21;
	[sflag:s23] =	ssyncset.done $0x0  }
0xa4: {  	[sflag:s23] =	ssyncadd.s32 s8;
	_ =	sdelay $0x1  }
0xa5: {  	s24 =	simm.s32 $0x1B8B  }
0xa6: {  	_ =	swait.ge [sflag:s24], $0x1  }
0xa7: {  	[sflag:s24] =	ssyncset.done $0x0  }
0xa8: {  	s25 =	simm.s32 $0x1B8E;
	[sflag:s24] =	ssyncadd.s32 $0xFFFFFFFF  }
0xa9: {  	s26 =	simm.s32 $execute0_lowered;
	[smem:$0x3FD2] =	sst s25  }
0xaa: {  	s8 =	sshll.u32 s26, $0x1;
	_ =	strace $0x80000046;
	[dreg:$0x1] =	wrdreg $0xFFFFFFFF  }
0xab: {  	s28 =	simm.s32 $_size_execute0_lowered;
	s7 =	sadd.s32 s7, s8;
	[dreg:$0x0] =	wrdreg $0x0  }
0xac: {  	s8 =	sshll.u32 s28, $0x1;
	[dreg:$0x2] =	wrdreg s7  }
0xad: {  	[dreg:$0x3] =	wrdreg s8  }
0xae: {  	[dreg:$0x4] =	wrdreg $0xC0  }
0xaf: {  	_ =	task [dreg:s11], $0x5FFFF  }
0xb0: {  	[dreg:$0x1] =	wrdreg $0xFFFFFFFF  }
0xb1: {  	[dreg:$0x0] =	wrdreg $0x60  }
0xb2: {  	[dreg:$0x2] =	wrdreg s2  }
0xb3: {  	[dreg:$0x3] =	wrdreg s19  }
0xb4: {  	[dreg:$0x4] =	wrdreg s4  }
0xb5: {  	[dreg:$0x5] =	wrdreg s5  }
0xb6: {  	[dreg:$0x6] =	wrdreg s6  }
0xb7: {  	[dreg:$0x7] =	wrdreg $0x9  }
0xb8: {  	_ =	task.clear_ibuf [dreg:s11], $0x8FFFF;
	_ =	strace $0x90000046  }
0xb9: {  	s29 =	simm.s32 $0x9;
	_ =	strace $0x80000048  }
0xba: {  	_ =	swait.ge [sflag:s29], $0x1  }
0xbb: {  	[sflag:s29] =	ssyncadd.s32 $0xFFFFFFFF  }
0xbc: {  	_ =	strace $0x90000048  }
0xbd: {  	_ =	sfence  }
0xbe: {  	s30 =	sld [smem:$0x0];
	_ =	sdelay $0x2  }
0xbf: {  	s31 =	sshll.u32 s1, $0xD;
	s1 =	sshrl.u32 s1, $0x2  }
0xc0: {  	s3 =	sand.u32 $0x4000, s31;
	s1 =	sadd.s32 s1, s30  }
0xc1: {  	s0 =	sor.u32 s3, s0;
	s1 =	sshll.u32 s1, $0x11  }
0xc2: {  	s0 =	sor.u32 s1, s0  }
0xc3: {  	s0 =	sadd.s32 $0x8F2B, s0  }
0xc4: {  	[sflag:s0] =	ssyncadd.remote.s32 $0x1  }
0xc5: {  	_ =	sfence.sel $0xFFFF  }
0xc6: {  	[dreg:$0x0] =	wrdreg $0xFFFFFFFF;
	(pc) =	sbr.abs _section_cstart, $3  }
0xc7: {  	[dreg:$0x1] =	wrdreg $0xFFFFFFFF  }
0xc8: {  	_ =	task.clear_ibuf [dreg:s11], $0x2FFFF;
	_ =	strace $0x9FFFFFFF  }
0xc9: {  	(tm) =	ssettm $0x7FFFFFFF  }
tec
execute0_lowered:
.L_overlay_start_1:
0x0: {  	(tag) =	ssettag $0x1  }
0x1: {  	s0 =	rddreg [dreg:$0x0]  }
0x2: {  	s3 =	rddreg [dreg:$0x1]  }
0x3: {  	s1 =	rddreg [dreg:$0x2]  }
0x4: {  	s2 =	rddreg [dreg:$0x3]  }
0x5: {  	s7 =	rddreg [dreg:$0x4];
	s4 =	simm.s32 $0x0;
	s5 =	srdreg.scid  }
0x6: {  	s8 =	stileid.u32;
	s10 =	simm.s32 $0x200;
	s11 =	simm.s32 $0x20  }
0x7: {  	s28 =	simm.s32 $0x280;
	s29 =	simm.s32 $0xC400;
	s30 =	simm.s32 $0xA0  }
0x8: {  	v0 =	vlaneseq.u32;
	s31 =	simm.s32 $0x5400;
	s12 =	simm.s32 $0xC0;
	s13 =	simm.s32 $0x6400  }
0x9: {  	s14 =	simm.s32 $0x2C0;
	s15 =	simm.s32 $0xE400;
	s16 =	simm.s32 $0x10400;
	v0 =	vmul.u32 $0x10, v0  }
0xa: {  	s17 =	simm.s32 $0x10500;
	s18 =	simm.s32 $0x0;
	s5 =	sand.u32 $0x1, s5  }
0xb: {  	s8 =	sshll.u32 s8, $0x7;
	s6 =	ssub.s32 $0x2, s5;
	s5 =	sshll.u32 s5, $0x6;
	v1 =	vor.u32 $0x1, v0;
	v2 =	vor.u32 $0x2, v0;
	v3 =	vor.u32 $0x3, v0  }
0xc: {  	[smem:$0x7FF] =	sst s4;
	s9 =	sshrl.u32 s6, $0x1;
	s8 =	sor.u32 s5, s8;
	v4 =	vor.u32 $0x4, v0;
	v5 =	vor.u32 $0x5, v0;
	v6 =	vor.u32 $0x6, v0  }
0xd: {  	_ =	strace $0x80000047;
	v7 =	vor.u32 $0x7, v0;
	v8 =	vor.u32 $0x8, v0;
	v9 =	vor.u32 $0x9, v0;
	s9 =	ssub.s32 s6, s9;
	s5 =	sadd.s32 s0, s8  }
0xe: {  	v10 =	vor.u32 $0xA, v0;
	v11 =	vor.u32 $0xB, v0;
	v12 =	vor.u32 $0xC, v0;
	s6 =	sadd.s32 s3, s8;
	s7 =	sadd.s32 s7, s8;
	s0 =	simm.s32 $0x2A0  }
0xf: {  	v13 =	vor.u32 $0xD, v0;
	v14 =	vor.u32 $0xE, v0;
	v15 =	vor.u32 $0xF, v0;
	s3 =	simm.s32 $0xD400;
	s8 =	smax.u32 s9, $0x1;
	s9 =	simm.s32 $0x11  }
.LBB2_1:
0x10: {  	[tilespmem:s4], [sflag:$0x11] =	stream.linear.gather [hbm4b:s5+s4], $0x200, $0x38;
	[tilespmem:$0x10700] =	vst v63  }
0x11: {  	_ =	swait.ge [sflag:s9], $0x200  }
0x12: {  	[sflag:s9] =	ssyncset.done $0x0  }
0x13: {  	[sflag:s9] =	ssyncadd.s32 $0xFFFFFE00  }
0x14: {  	[tilespmem:s10], [sflag:$0x11] =	stream.linear.gather [hbm4b:s6+s4], $0x200, $0x38;
	[tilespmem:$0x10700] =	vst v63  }
0x15: {  	_ =	swait.ge [sflag:s9], $0x200  }
0x16: {  	[sflag:s9] =	ssyncset.done $0x0  }
0x17: {  	s19 =	simm.s32 $0x400;
	[sflag:s9] =	ssyncadd.s32 $0xFFFFFE00  }
0x18: {  	[tilespmem:s19], [sflag:$0x1] =	stream.indirect.gather [hbm4b:s1+s11], $0x80, s4, s11, $0xb8;
	[tilespmem:$0x10700] =	vst v63  }
0x19: {  	s20 =	simm.s32 $0x8400  }
0x1a: {  	[tilespmem:s20], [sflag:$0x2] =	stream.indirect.gather [hbm4b:s2+s11], $0x80, s10, s11, $0xb8;
	[tilespmem:$0x10700] =	vst v63  }
0x1b: {  	s21 =	simm.s32 $0x1400  }
0x1c: {  	[tilespmem:s21], [sflag:$0x3] =	stream.indirect.gather [hbm4b:s1+s11], $0x80, s11, s11, $0xb8;
	[tilespmem:$0x10700] =	vst v63  }
0x1d: {  	s22 =	simm.s32 $0x220;
	s20 =	simm.s32 $0x9400  }
0x1e: {  	[tilespmem:s20], [sflag:$0x4] =	stream.indirect.gather [hbm4b:s2+s11], $0x80, s22, s11, $0xb8;
	[tilespmem:$0x10700] =	vst v63  }
0x1f: {  	s23 =	simm.s32 $0x40;
	s24 =	simm.s32 $0x2400  }
0x20: {  	[tilespmem:s24], [sflag:$0x5] =	stream.indirect.gather [hbm4b:s1+s11], $0x80, s23, s11, $0xb8;
	[tilespmem:$0x10700] =	vst v63  }
0x21: {  	s25 =	simm.s32 $0x240;
	s26 =	simm.s32 $0xA400  }
0x22: {  	[tilespmem:s26], [sflag:$0x6] =	stream.indirect.gather [hbm4b:s2+s11], $0x80, s25, s11, $0xb8;
	[tilespmem:$0x10700] =	vst v63  }
0x23: {  	s21 =	simm.s32 $0x60;
	s22 =	simm.s32 $0x3400  }
0x24: {  	[tilespmem:s22], [sflag:$0x7] =	stream.indirect.gather [hbm4b:s1+s11], $0x80, s21, s11, $0xb8;
	[tilespmem:$0x10700] =	vst v63  }
0x25: {  	s23 =	simm.s32 $0x260;
	s24 =	simm.s32 $0xB400  }
0x26: {  	[tilespmem:s24], [sflag:$0x8] =	stream.indirect.gather [hbm4b:s2+s11], $0x80, s23, s11, $0xb8;
	[tilespmem:$0x10700] =	vst v63  }
0x27: {  	s25 =	simm.s32 $0x80;
	s26 =	simm.s32 $0x4400  }
0x28: {  	[tilespmem:s26], [sflag:$0x9] =	stream.indirect.gather [hbm4b:s1+s11], $0x80, s25, s11, $0xb8;
	[tilespmem:$0x10700] =	vst v63  }
0x29: {  	_ = 	snop  }
0x2a: {  	[tilespmem:s29], [sflag:$0xA] =	stream.indirect.gather [hbm4b:s2+s11], $0x80, s28, s11, $0xb8;
	[tilespmem:$0x10700] =	vst v63  }
0x2b: {  	_ = 	snop  }
0x2c: {  	[tilespmem:s31], [sflag:$0xB] =	stream.indirect.gather [hbm4b:s1+s11], $0x80, s30, s11, $0xb8;
	[tilespmem:$0x10700] =	vst v63  }
0x2d: {  	_ = 	snop  }
0x2e: {  	[tilespmem:s3], [sflag:$0xC] =	stream.indirect.gather [hbm4b:s2+s11], $0x80, s0, s11, $0xb8;
	[tilespmem:$0x10700] =	vst v63  }
0x2f: {  	_ = 	snop  }
0x30: {  	[tilespmem:s13], [sflag:$0xD] =	stream.indirect.gather [hbm4b:s1+s11], $0x80, s12, s11, $0xb8;
	[tilespmem:$0x10700] =	vst v63  }
0x31: {  	s19 =	simm.s32 $0x0;
	s20 =	simm.s32 $0x0  }
0x32: {  	[tilespmem:s15], [sflag:$0xE] =	stream.indirect.gather [hbm4b:s2+s11], $0x80, s14, s11, $0xb8;
	[tilespmem:$0x10700] =	vst v63  }
.LBB2_2:
0x33: {  	p0 =	sgt.u32 s20, $0x8  }
0x34: {  	s21 =	sadd.s32 @!p0 $0x7, s20  }
0x35: {  	s22 =	sand.u32 @!p0 $0x7, s21  }
0x36: {  	s26 =	simm.s32 @!p0 $0x20;
	s21 =	sshll.u32 @!p0 s21, $0x5;
	s23 =	sshll.u32 @!p0 s22, $0xC  }
0x37: {  	s25 =	sshll.u32 @!p0 s22, $0x1;
	s22 =	sshllo.u32 @!p0 s22, $0x1;
	s24 =	sor.u32 @!p0 $0x400, s23  }
0x38: {  	[tilespmem:s24], [sflag:s22] =	stream.indirect.gather @!p0 [hbm4b:s1+s26], $0x80, s21, s26, $0xb8;
	[tilespmem:$0x10700] =	vst v63  }
0x39: {  	s22 =	sor.u32 @!p0 $0x8400, s23  }
0x3a: {  	s21 =	sadd.s32 @!p0 $0x200, s21;
	s23 =	sadd.s32 @!p0 $0x2, s25;
	s24 =	sshll.u32 s20, $0x1  }
0x3b: {  	[tilespmem:s22], [sflag:s23] =	stream.indirect.gather @!p0 [hbm4b:s2+s26], $0x80, s21, s26, $0xb8;
	[tilespmem:$0x10700] =	vst v63  }
0x3c: {  	s21 =	sand.u32 $0xE, s24  }
0x3d: {  	s25 =	sor.u32 $0x1, s21  }
0x3e: {  	p1 =	por $0x1, $0x1;
	_ =	swait.ge [sflag:s25], $0x1000  }
0x3f: {  	s26 =	sand.u32 $0x7, s19;
	s21 =	sadd.s32 $0x2, s21;
	[sflag:s25] =	ssyncset.done $0x0  }
0x40: {  	s24 =	sshll.u32 s26, $0xE;
	[sflag:s25] =	ssyncadd.s32 $0xFFFFF000;
	s25 =	sshll.u32 s20, $0x5  }
0x41: {  	s22 =	sshrl.u32 s24, $0x2;
	_ =	swait.ge [sflag:s21], $0x1000;
	s23 =	sand.u32 $0x3FFFFFE0, s25  }
0x42: {  	[sflag:s21] =	ssyncset.done $0x0;
	s26 =	sadd.s32 $0x10500, s23;
	s23 =	simm.s32 $0x0  }
0x43: {  	[sflag:s21] =	ssyncadd.s32 $0xFFFFF000;
	s21 =	sadd.s32 $0x440, s22;
	s22 =	sadd.s32 $0x8470, s22;
	v16 =	vmov s26  }
.LBB2_3:
0x44: {  	s24 =	sshll.u32 s23, $0x7  }
0x45: {  	s24 =	sand.u32 $0x3FFFFF80, s24  }
0x46: {  	s25 =	sadd.s32 s24, s22  }
0x47: {  	s24 =	sadd.s32 s24, s21;
	v17 =	vmov s25  }
0x48: {  	v18 =	vmov s24;
	_ =	sdelay $0x2  }
0x49: {  	s26 =	simm.s32 $0x0  }
0x4a: {  	v19 =	vld.idx.msk [tilespmem:v17+s26+$0xFFFFFF90 ss:$0x1], $0xffff  }
0x4b: {  	v20 =	vld.idx.msk [tilespmem:v18+s26+$0xFFFFFFC0 ss:$0x1], $0xffff  }
0x4c: {  	v21 =	vld.idx.msk [tilespmem:v18+s26+$0xFFFFFFD0 ss:$0x1], $0xffff  }
0x4d: {  	v22 =	vld.idx.msk [tilespmem:v17+s26+$0xFFFFFFA0 ss:$0x1], $0xffff  }
0x4e: {  	v23 =	vld.idx.msk [tilespmem:v18+s26+$0xFFFFFFE0 ss:$0x1], $0xffff  }
0x4f: {  	v24 =	vld.idx.msk [tilespmem:v17+s26+$0xFFFFFFB0 ss:$0x1], $0xffff  }
0x50: {  	v25 =	vld.idx.msk [tilespmem:v18+s26+$0xFFFFFFF0 ss:$0x1], $0xffff  }
0x51: {  	v26 =	vld.idx.msk [tilespmem:v17+s26+$0xFFFFFFC0 ss:$0x1], $0xffff  }
0x52: {  	v27 =	vld.idx.msk [tilespmem:v18+s26+$0x0 ss:$0x1], $0xffff;
	v19 =	vmul.f32 v19, v20;
	v20 =	vmul.f32 v22, v21  }
0x53: {  	v21 =	vld.idx.msk [tilespmem:v17+s26+$0xFFFFFFD0 ss:$0x1], $0xffff  }
0x54: {  	v22 =	vld.idx.msk [tilespmem:v18+s26+$0x10 ss:$0x1], $0xffff;
	v19 =	vadd.f32 v20, v19;
	v20 =	vmul.f32 v24, v23  }
0x55: {  	v23 =	vld.idx.msk [tilespmem:v17+s26+$0xFFFFFFE0 ss:$0x1], $0xffff  }
0x56: {  	v61 =	vld.idx.msk [tilespmem:v18+s26+$0x20 ss:$0x1], $0xffff;
	v19 =	vadd.f32 v20, v19;
	v20 =	vmul.f32 v26, v25  }
0x57: {  	v62 =	vld.idx.msk [tilespmem:v17+s26+$0xFFFFFFF0 ss:$0x1], $0xffff  }
0x58: {  	v63 =	vld.idx.msk [tilespmem:v18+s26+$0x30 ss:$0x1], $0xffff;
	v19 =	vadd.f32 v20, v19;
	v20 =	vmul.f32 v21, v27  }
0x59: {  	v21 =	vld.idx.msk [tilespmem:v17+s26+$0x0 ss:$0x1], $0xffff  }
0x5a: {  	v19 =	vadd.f32 v20, v19;
	v20 =	vmul.f32 v23, v22;
	_ =	sdelay $0x1  }
0x5b: {  	v19 =	vadd.f32 v20, v19;
	v20 =	vmul.f32 v62, v61;
	_ =	sdelay $0x1  }
0x5c: {  	v19 =	vadd.f32 v20, v19;
	v20 =	vmul.f32 v21, v63;
	_ =	sdelay $0x1  }
0x5d: {  	v19 =	vadd.f32 v20, v19  }
0x5e: {  	s24 =	simm.s32 $0x10400  }
0x5f: {  	s25 =	simm.s32 $0x80;
	[tilespmem:s24+$0x0] =	vst v19  }
0x60: {  	v19 =	vld.idx.msk [tilespmem:v17+s25+$0xFFFFFF90 ss:$0x1], $0xffff  }
0x61: {  	v20 =	vld.idx.msk [tilespmem:v18+s25+$0xFFFFFFC0 ss:$0x1], $0xffff  }
0x62: {  	p0 =	por p1, p1;
	s26 =	simm.s32 $0x400;
	v21 =	vld.idx.msk [tilespmem:v18+s25+$0xFFFFFFD0 ss:$0x1], $0xffff  }
.LBB2_4:
0x63: {  	p1 =	sne.s32 s26, $0x1E00;
	v22 =	vld.idx.msk [tilespmem:v17+s25+$0xFFFFFFA0 ss:$0x1], $0xffff  }
0x64: {  	v23 =	vld.idx.msk [tilespmem:v18+s25+$0xFFFFFFE0 ss:$0x1], $0xffff  }
0x65: {  	v24 =	vld.idx.msk [tilespmem:v17+s25+$0xFFFFFFB0 ss:$0x1], $0xffff  }
0x66: {  	v25 =	vld.idx.msk [tilespmem:v18+s25+$0xFFFFFFF0 ss:$0x1], $0xffff  }
0x67: {  	v26 =	vld.idx.msk [tilespmem:v17+s25+$0xFFFFFFC0 ss:$0x1], $0xffff  }
0x68: {  	v27 =	vld.idx.msk [tilespmem:v18+s25+$0x0 ss:$0x1], $0xffff  }
0x69: {  	v19 =	vmul.f32 v19, v20;
	v20 =	vmul.f32 v22, v21;
	v21 =	vld.idx.msk [tilespmem:v17+s25+$0xFFFFFFD0 ss:$0x1], $0xffff  }
0x6a: {  	v22 =	vld.idx.msk [tilespmem:v18+s25+$0x10 ss:$0x1], $0xffff  }
0x6b: {  	v19 =	vadd.f32 v20, v19;
	v20 =	vmul.f32 v24, v23;
	v23 =	vld.idx.msk [tilespmem:v17+s25+$0xFFFFFFE0 ss:$0x1], $0xffff  }
0x6c: {  	v24 =	vld.idx.msk [tilespmem:v18+s25+$0x20 ss:$0x1], $0xffff  }
0x6d: {  	v19 =	vadd.f32 v20, v19;
	v20 =	vmul.f32 v26, v25;
	v25 =	vld.idx.msk [tilespmem:v17+s25+$0xFFFFFFF0 ss:$0x1], $0xffff  }
0x6e: {  	v26 =	vld.idx.msk [tilespmem:v18+s25+$0x30 ss:$0x1], $0xffff  }
0x6f: {  	v19 =	vadd.f32 v20, v19;
	v20 =	vmul.f32 v21, v27;
	v21 =	vld.idx.msk [tilespmem:v17+s25+$0x0 ss:$0x1], $0xffff;
	_ =	sdelay $0x1  }
0x70: {  	v19 =	vadd.f32 v20, v19;
	v20 =	vmul.f32 v23, v22;
	_ =	sdelay $0x1  }
0x71: {  	v19 =	vadd.f32 v20, v19;
	v20 =	vmul.f32 v25, v24;
	_ =	sdelay $0x1  }
0x72: {  	v19 =	vadd.f32 v20, v19;
	v20 =	vmul.f32 v21, v26;
	_ =	sdelay $0x1  }
0x73: {  	v19 =	vadd.f32 v20, v19  }
.Ltmp0:
0x74: {  	s24 =	sadd.s32 $0x10, s24;
	(pc) =	sbr.rel @p1 .LBB2_4-.Ltmp0, $4  }
0x75: {  	s25 =	sshra.s32 s26, $0x2;
	[tilespmem:s24+$0x0] =	vst v19  }
0x76: {  	v19 =	vld.idx.msk [tilespmem:v17+s25+$0xFFFFFF90 ss:$0x1], $0xffff  }
0x77: {  	v20 =	vld.idx.msk [tilespmem:v18+s25+$0xFFFFFFC0 ss:$0x1], $0xffff  }
0x78: {  	s26 =	sadd.s32 $0x200, s26;
	v21 =	vld.idx.msk [tilespmem:v18+s25+$0xFFFFFFD0 ss:$0x1], $0xffff  }
0x79: {  	_ =	sdelay $0x3  }
0x7a: {  	v22 =	vld.idx.msk [tilespmem:v17+s25+$0xFFFFFFA0 ss:$0x1], $0xffff  }
0x7b: {  	v23 =	vld.idx.msk [tilespmem:v18+s25+$0xFFFFFFE0 ss:$0x1], $0xffff  }
0x7c: {  	v24 =	vld.idx.msk [tilespmem:v17+s25+$0xFFFFFFB0 ss:$0x1], $0xffff  }
0x7d: {  	v25 =	vld.idx.msk [tilespmem:v18+s25+$0xFFFFFFF0 ss:$0x1], $0xffff  }
0x7e: {  	v26 =	vld.idx.msk [tilespmem:v17+s25+$0xFFFFFFC0 ss:$0x1], $0xffff  }
0x7f: {  	v27 =	vld.idx.msk [tilespmem:v18+s25+$0x0 ss:$0x1], $0xffff;
	v19 =	vmul.f32 v19, v20;
	v48 =	vmul.f32 v22, v21  }
0x80: {  	v49 =	vld.idx.msk [tilespmem:v17+s25+$0xFFFFFFD0 ss:$0x1], $0xffff  }
0x81: {  	v50 =	vld.idx.msk [tilespmem:v18+s25+$0x10 ss:$0x1], $0xffff;
	v51 =	vmul.f32 v24, v23;
	v19 =	vadd.f32 v48, v19  }
0x82: {  	v52 =	vld.idx.msk [tilespmem:v17+s25+$0xFFFFFFE0 ss:$0x1], $0xffff  }
0x83: {  	v53 =	vld.idx.msk [tilespmem:v18+s25+$0x20 ss:$0x1], $0xffff;
	v54 =	vmul.f32 v26, v25;
	v19 =	vadd.f32 v51, v19  }
0x84: {  	v55 =	vld.idx.msk [tilespmem:v17+s25+$0xFFFFFFF0 ss:$0x1], $0xffff  }
0x85: {  	v18 =	vld.idx.msk [tilespmem:v18+s25+$0x30 ss:$0x1], $0xffff;
	v56 =	vmul.f32 v49, v27;
	v19 =	vadd.f32 v54, v19  }
0x86: {  	v17 =	vld.idx.msk [tilespmem:v17+s25+$0x0 ss:$0x1], $0xffff  }
0x87: {  	v57 =	vmul.f32 v52, v50;
	v19 =	vadd.f32 v56, v19;
	_ =	sdelay $0x1  }
0x88: {  	v58 =	vmul.f32 v55, v53;
	v19 =	vadd.f32 v57, v19;
	_ =	sdelay $0x1  }
0x89: {  	v17 =	vmul.f32 v17, v18;
	v19 =	vadd.f32 v58, v19;
	_ =	sdelay $0x1  }
0x8a: {  	v17 =	vadd.f32 v17, v19  }
0x8b: {  	s24 =	sadd.s32 $0x10, s24  }
0x8c: {  	[tilespmem:s24+$0x0] =	vst v17  }
0x8d: {  	v17 =	vld.idx.msk [tilespmem:v0+s16+$0x0], $0xffff  }
0x8e: {  	v18 =	vld.idx.msk [tilespmem:v1+s16+$0x0], $0xffff;
	_ =	sdelay $0x1  }
0x8f: {  	v19 =	vld.idx.msk [tilespmem:v2+s16+$0x0], $0xffff;
	_ =	sdelay $0x1  }
0x90: {  	v59 =	vld.idx.msk [tilespmem:v3+s16+$0x0], $0xffff  }
0x91: {  	v17 =	vadd.f32 v18, v17  }
0x92: {  	v18 =	vld.idx.msk [tilespmem:v4+s16+$0x0], $0xffff  }
0x93: {  	v17 =	vadd.f32 v19, v17  }
0x94: {  	v19 =	vld.idx.msk [tilespmem:v5+s16+$0x0], $0xffff  }
0x95: {  	v17 =	vadd.f32 v59, v17  }
0x96: {  	v60 =	vld.idx.msk [tilespmem:v6+s16+$0x0], $0xffff  }
0x97: {  	v17 =	vadd.f32 v18, v17  }
0x98: {  	v18 =	vld.idx.msk [tilespmem:v7+s16+$0x0], $0xffff  }
0x99: {  	v17 =	vadd.f32 v19, v17  }
0x9a: {  	v19 =	vld.idx.msk [tilespmem:v8+s16+$0x0], $0xffff  }
0x9b: {  	v17 =	vadd.f32 v60, v17  }
0x9c: {  	v61 =	vld.idx.msk [tilespmem:v9+s16+$0x0], $0xffff  }
0x9d: {  	v17 =	vadd.f32 v18, v17  }
0x9e: {  	v18 =	vld.idx.msk [tilespmem:v10+s16+$0x0], $0xffff  }
0x9f: {  	v17 =	vadd.f32 v19, v17  }
0xa0: {  	v19 =	vld.idx.msk [tilespmem:v11+s16+$0x0], $0xffff  }
0xa1: {  	v17 =	vadd.f32 v61, v17  }
0xa2: {  	v62 =	vld.idx.msk [tilespmem:v12+s16+$0x0], $0xffff  }
0xa3: {  	v17 =	vadd.f32 v18, v17  }
0xa4: {  	v18 =	vld.idx.msk [tilespmem:v13+s16+$0x0], $0xffff  }
0xa5: {  	v17 =	vadd.f32 v19, v17  }
0xa6: {  	v19 =	vld.idx.msk [tilespmem:v14+s16+$0x0], $0xffff  }
0xa7: {  	v17 =	vadd.f32 v62, v17  }
0xa8: {  	v63 =	vld.idx.msk [tilespmem:v15+s16+$0x0], $0xffff  }
0xa9: {  	v17 =	vadd.f32 v18, v17;
	_ =	sdelay $0x1  }
.Ltmp1:
0xaa: {  	v17 =	vadd.f32 v19, v17;
	(pc) =	sbr.rel @p0 .LBB2_3-.Ltmp1, $3  }
0xab: {  	_ = 	snop  }
0xac: {  	v17 =	vadd.f32 v63, v17;
	_ =	sdelay $0x1  }
0xad: {  	p1 =	por $0x0, $0x0;
	[tilespmem:v16+s23+$0x0 ss:$0x1] =	vst.idx.msk $0xffff, v17;
	s23 =	simm.s32 $0x10  }
0xae: {  	s20 =	sadd.s32 $0x1, s20  }
0xaf: {  	p0 =	sne.s32 s20, $0x10  }
.Ltmp2:
0xb0: {  	_ = 	snop;
	(pc) =	sbr.rel @p0 .LBB2_2-.Ltmp2, $2  }
0xb1: {  	_ =	sdelay $0x2  }
0xb2: {  	s19 =	sadd.s32 $0x1, s19  }
0xb3: {  	s18 =	sadd.s32 $0x1, s18  }
0xb4: {  	p0 =	sne.s32 s18, s8  }
.Ltmp3:
0xb5: {  	_ = 	snop;
	(pc) =	sbr.rel @p0 .LBB2_1-.Ltmp3, $4  }
0xb6: {  	[hbm4b:s7+s4] =	stream.linear.scatter [tilespmem:s17], [sflag:$0x11], $0x200, $0x38;
	[tilespmem:$0x10700] =	vst v63  }
0xb7: {  	_ =	swait.ge [sflag:s9], $0x200  }
0xb8: {  	[sflag:s9] =	ssyncset.done $0x0  }
0xb9: {  	[sflag:s9] =	ssyncadd.s32 $0xFFFFFE00  }
0xba: {  	_ =	sfence.sel $0x180000  }
0xbb: {  	[bflag:$0x0] =	sbarrier.arrive $0xFFFF  }
0xbc: {  	_ =	strace $0x90000047  }
0xbd: {  	s0 =	stileid.u32;
	[bflag:$0x2] =	sbarrier.arrive $0xFFFF  }
0xbe: {  	p0 =	sne.s32 s0, $0x0;
	s0 =	rddreg [dreg:$0x5]  }
0xbf: {  	s0 =	sadd.s32 @!p0 $0x100000, s0  }
0xc0: {  	[sflag:s0] =	ssyncadd.tile.s32 @!p0 $0x1;
	_ =	shalt  }
.Lfunc_end2:
_tile_overlayer_lowered:
.L_overlay_start_2:
0xc1: {  	(tag) =	ssettag $0x2  }
0xc2: {  	s0 =	rddreg [dreg:$0x0];
	s2 =	stileid.u32  }
0xc3: {  	s1 =	rddreg [dreg:$0x1];
	p0 =	sne.s32 s2, $0x0  }
0xc4: {  	s3 =	rddreg [dreg:$0x2];
	[bflag:$0x3] =	sbarrier.arrive $0xFFFF;
	s2 =	simm.s32 @!p0 $0x1C11  }
0xc5: {  	[timem:s3], [sflag:s2] =	dma.local @!p0 [hbm:s0], s1  }
0xc6: {  	s0 =	simm.s32 @!p0 $0x11  }
0xc7: {  	_ =	swait.ge @!p0 [sflag:s0], s1  }
0xc8: {  	s1 =	ssub.s32 @!p0 $0x0, s1;
	[sflag:s0] =	ssyncset.done @!p0 $0x0  }
0xc9: {  	[sflag:s0] =	ssyncadd.s32 @!p0 s1  }
0xca: {  	[bflag:$0x3] =	sbarrier.arrive $0xFFFF  }
0xcb: {  	_ =	shalt  }

</sc_bundles>
